<compile_context>
chip_gen: v7x
topology: tpu7x:2x2x1
jax: 0.10.2.dev20260603
libtpu: 0.0.44.dev20260713+nightly
codegen_flags: <defaults>
</compile_context>

<pallas_src>
import jax
import jax.numpy as jnp
from jax import lax
from jax.experimental import pallas as pl
from jax.experimental.pallas import tpu as pltpu
from jax.experimental.pallas import tpu_sc as plsc

N = 10000
D_IN = 256
Z_DIM = 256
H = 128
NP = 10240
E = 320000
CW = 128
NS = 16
NC = 2
CH = 160
EPAD = NS * CH * CW
CWD = 80
CHD = 256
EPADD = NS * CHD * CWD
ROWS_PER_TILE = NP // NS
BLK = 1024


def _mmscale_body(x_ref, w_ref, b_ref, dp_ref, g_ref, hi_ref):
    j = pl.program_id(1)

    @pl.when(j == 0)
    def _():
        h = lax.dot_general(x_ref[...], w_ref[...],
                            dimension_numbers=(((1,), (1,)), ((), ())),
                            preferred_element_type=jnp.float32)
        h = h + b_ref[...]
        l2 = jnp.sqrt(jnp.sum(h * h, axis=1, keepdims=True))
        h = h / jnp.maximum(l2, 1e-12) * 1.8
        cnt = dp_ref[0] + dp_ref[1] + 1.0
        g = h * lax.rsqrt(cnt)
        g_ref[...] = g[:, :H]
        hi_ref[...] = g[:, H:]

    @pl.when(j == 1)
    def _():
        g_ref[...] = hi_ref[...]


def _mmscale(x, W, b, dparts):
    return pl.pallas_call(
        _mmscale_body,
        grid=(NP // BLK, 2),
        in_specs=[
            pl.BlockSpec((BLK, D_IN), lambda i, j: (i, 0)),
            pl.BlockSpec((Z_DIM, D_IN), lambda i, j: (0, 0)),
            pl.BlockSpec((1, Z_DIM), lambda i, j: (0, 0)),
            pl.BlockSpec((2, BLK, 1), lambda i, j: (0, i, 0)),
        ],
        out_specs=pl.BlockSpec((BLK, H), lambda i, j: (i + (NP // BLK) * j, 0)),
        out_shape=jax.ShapeDtypeStruct((2 * NP, H), jnp.float32),
        scratch_shapes=[pltpu.VMEM((BLK, H), jnp.float32)],
    )(x, W, b.reshape(1, Z_DIM), dparts)


def _deg_body(dsti, out, dstv, onesb, zb, dacc, semo):
    c = lax.axis_index("c")
    s = lax.axis_index("s")
    pltpu.sync_copy(dsti.at[s, pl.ds((CH // 2) * c, CH // 2)], dstv)
    for j in range(8):
        onesb[pl.ds(16 * j, 16)] = jnp.ones((16,), jnp.float32)

    @pl.loop(0, ROWS_PER_TILE, step=16)
    def _(r):
        zb[pl.ds(r, 16)] = jnp.zeros((16,), jnp.float32)

    pltpu.sync_copy(zb, dacc.at[pl.ds(s * ROWS_PER_TILE, ROWS_PER_TILE)])
    plsc.subcore_barrier()

    @pl.loop(0, CH // 2)
    def _(ch):
        pltpu.async_copy(onesb, dacc.at[dstv.at[ch]], semo, add=True)

    @pl.loop(0, CH // 2)
    def _(ch):
        pltpu.make_async_copy(onesb, dacc.at[pl.ds(0, CW)], semo).wait()

    plsc.subcore_barrier()
    pltpu.sync_copy(dacc.at[pl.ds(s * ROWS_PER_TILE, ROWS_PER_TILE)],
                    out.at[pl.ds(c * NP + s * ROWS_PER_TILE, ROWS_PER_TILE)])


def _deg_counts(dsti):
    mesh = plsc.VectorSubcoreMesh(core_axis_name="c", subcore_axis_name="s")
    k = pl.kernel(
        _deg_body,
        out_type=jax.ShapeDtypeStruct((NC * NP,), jnp.float32),
        mesh=mesh,
        scratch_types=[
            pltpu.VMEM((CH // 2, CW), jnp.int32),
            pltpu.VMEM((CW,), jnp.float32),
            pltpu.VMEM((ROWS_PER_TILE,), jnp.float32),
            pltpu.VMEM_SHARED((NP,), jnp.float32),
            pltpu.SemaphoreType.DMA,
        ],
    )
    return k(dsti)


SB = 32


def _prop_body(gflat, srci, dsti, out, srcv, dstv, bufa, bufb, bufc, bufd,
               accs, sema, semb, semc, semd):
    c = lax.axis_index("c")
    s = lax.axis_index("s")

    @pl.loop(0, CWD)
    def _(r):
        for j in range(8):
            bufa[r, pl.ds(j * 16, 16)] = jnp.zeros((16,), jnp.float32)

    @pl.loop(0, ROWS_PER_TILE // CWD)
    def _(i):
        pltpu.sync_copy(
            bufa, accs.at[pl.ds(s * ROWS_PER_TILE + i * CWD, CWD)])

    plsc.subcore_barrier()

    def wait(buf, sem):
        pltpu.make_async_copy(gflat.at[pl.ds(0, CWD)], buf, sem).wait()

    @pl.loop(0, CHD // SB)
    def _(sb):
        st = pl.multiple_of(sb * SB, SB)
        pltpu.sync_copy(srci.at[c, s, pl.ds(st, SB)], srcv)
        pltpu.sync_copy(dsti.at[s, pl.ds(st, SB)], dstv)

        pltpu.async_copy(gflat.at[srcv.at[0]], bufa, sema)
        pltpu.async_copy(gflat.at[srcv.at[1]], bufb, semb)
        pltpu.async_copy(gflat.at[srcv.at[2]], bufc, semc)

        @pl.loop(0, SB // 4)
        def _(i):
            j = i * 4
            wait(bufa, sema)
            pltpu.async_copy(gflat.at[srcv.at[j + 3]], bufd, semd)
            pltpu.sync_copy(bufa, accs.at[dstv.at[j]], add=True)
            wait(bufb, semb)

            @pl.when(j + 4 < SB)
            def _():
                pltpu.async_copy(gflat.at[srcv.at[j + 4]], bufa, sema)

            pltpu.sync_copy(bufb, accs.at[dstv.at[j + 1]], add=True)
            wait(bufc, semc)

            @pl.when(j + 5 < SB)
            def _():
                pltpu.async_copy(gflat.at[srcv.at[j + 5]], bufb, semb)

            pltpu.sync_copy(bufc, accs.at[dstv.at[j + 2]], add=True)
            wait(bufd, semd)

            @pl.when(j + 6 < SB)
            def _():
                pltpu.async_copy(gflat.at[srcv.at[j + 6]], bufc, semc)

            pltpu.sync_copy(bufd, accs.at[dstv.at[j + 3]], add=True)

    plsc.subcore_barrier()
    pltpu.sync_copy(accs.at[pl.ds(s * ROWS_PER_TILE, ROWS_PER_TILE)],
                    out.at[pl.ds(c * NP + s * ROWS_PER_TILE, ROWS_PER_TILE)])


def _propagate(gflat, srci, dsti):
    mesh = plsc.VectorSubcoreMesh(core_axis_name="c", subcore_axis_name="s")
    k = pl.kernel(
        _prop_body,
        out_type=jax.ShapeDtypeStruct((NC * NP, H), jnp.float32),
        mesh=mesh,
        scratch_types=[
            pltpu.VMEM((SB, CWD), jnp.int32),
            pltpu.VMEM((SB, CWD), jnp.int32),
            pltpu.VMEM((CWD, H), jnp.float32),
            pltpu.VMEM((CWD, H), jnp.float32),
            pltpu.VMEM((CWD, H), jnp.float32),
            pltpu.VMEM((CWD, H), jnp.float32),
            pltpu.VMEM_SHARED((NP, H), jnp.float32),
            pltpu.SemaphoreType.DMA,
            pltpu.SemaphoreType.DMA,
            pltpu.SemaphoreType.DMA,
            pltpu.SemaphoreType.DMA,
        ],
    )
    return k(gflat, srci, dsti)


def _combine_body(acc_ref, g_ref, dp_ref, o_ref):
    cnt = dp_ref[0] + dp_ref[1] + 1.0
    dinv = lax.rsqrt(cnt)
    o_ref[...] = dinv * (acc_ref[...] + g_ref[...])


def _combine(accflat, gflat, dparts):
    return pl.pallas_call(
        _combine_body,
        grid=(NP // BLK, 2),
        in_specs=[
            pl.BlockSpec((BLK, H), lambda i, j: (i + (NP // BLK) * j, 0)),
            pl.BlockSpec((BLK, H), lambda i, j: (i + (NP // BLK) * j, 0)),
            pl.BlockSpec((2, BLK, 1), lambda i, j: (0, i, 0)),
        ],
        out_specs=pl.BlockSpec((BLK, H), lambda i, j: (i, j)),
        out_shape=jax.ShapeDtypeStruct((N, Z_DIM), jnp.float32),
    )(accflat, gflat, dparts)


def kernel(x, edge_index, W, b):
    src = edge_index[0].astype(jnp.int32)
    dst = edge_index[1].astype(jnp.int32)
    pad_b = jnp.arange(EPAD - E, dtype=jnp.int32)
    dsti = jnp.concatenate([dst, N + pad_b % 128]).reshape(NS, CH, CW)
    pad_d = jnp.arange(EPADD - E, dtype=jnp.int32)
    srci_h = jnp.concatenate([src, pad_d % N]).reshape(NS, CHD, CWD)
    srci_d = jnp.stack([srci_h, srci_h + NP])
    dsti_d = jnp.concatenate([dst, N + pad_d % 128]).reshape(NS, CHD, CWD)

    dcounts = _deg_counts(dsti)
    dparts = dcounts.reshape(2, NP, 1)
    gflat = _mmscale(x, W, b, dparts)
    accflat = _propagate(gflat, srci_d, dsti_d)
    return _combine(accflat, gflat, dparts)

# --- scband reference (transcript-rebuilt; emitter-appended) ---
"""Pipeline reference for scband-gnaeencoder-32255204393509 (READ-ONLY COPY).

The authoritative reference and input builder live on the scoring server;
editing this copy changes nothing except your own understanding.
"""

import jax, jax.numpy as jnp
import numpy as np

N = 10000
E = 320000
D_IN = 256
Z_DIM = 256

def setup_inputs(seed: int = 0) -> dict:
    key = jax.random.key(seed)
    k1, k2, k3, k4 = jax.random.split(key, 4)
    x = jax.random.normal(k1, (N, D_IN), dtype=jnp.float32)
    edge_index = jax.random.randint(k2, (2, E), 0, N)
    W = jax.random.normal(k3, (Z_DIM, D_IN), dtype=jnp.float32) * (1.0 / np.sqrt(D_IN))
    b = jax.random.normal(k4, (Z_DIM,), dtype=jnp.float32) * 0.01
    return {"x": x, "edge_index": edge_index, "W": W, "b": b}

def _appnp_k1_alpha0(h, edge_index):
    # APPNP with K=1, alpha=0 reduces to one GCN-normalized propagation
    # with self-loops added (PyG gcn_norm default, add_self_loops=True).
    n = h.shape[0]
    src = edge_index[0]
    dst = edge_index[1]
    loop = jnp.arange(n, dtype=src.dtype)
    src = jnp.concatenate([src, loop])
    dst = jnp.concatenate([dst, loop])
    w = jnp.ones(src.shape[0], dtype=h.dtype)
    deg = jnp.zeros((n,), dtype=h.dtype).at[dst].add(w)
    deg_inv_sqrt = jnp.where(deg > 0, jax.lax.rsqrt(deg), 0.0)
    norm = deg_inv_sqrt[src] * deg_inv_sqrt[dst]
    msg = h[src] * norm[:, None]
    out = jnp.zeros_like(h).at[dst].add(msg)
    return out

def reference(x, edge_index, W, b):
    h = x @ W.T + b
    l2 = jnp.sqrt(jnp.sum(h * h, axis=1, keepdims=True))
    h = h / jnp.maximum(l2, 1e-12) * 1.8
    return _appnp_k1_alpha0(h, edge_index)

if __name__ == "__main__":
    import jax
    _d = setup_inputs()
    print(jax.jit(kernel)(*tuple(_d.values())))

</pallas_src>

<mosaic_0001>
#map = affine_map<(d0, d1) -> (0, 0)>
#map1 = affine_map<(d0, d1) -> (0, 0, 0, 0)>
#map2 = affine_map<(d0, d1) -> (0, 0, 0)>
module attributes {stable_mosaic.version = 14 : i64} {
  func.func @_prop_body(%arg0: i32, %arg1: i32, %arg2: memref<20480x128xf32, #tpu.memory_space<hbm>>, %arg3: memref<2x16x256x80xi32, #tpu.memory_space<hbm>>, %arg4: memref<16x256x80xi32, #tpu.memory_space<hbm>>, %arg5: memref<20480x128xf32, #tpu.memory_space<hbm>>, %arg6: memref<32x80xi32, #tpu.memory_space<vmem>>, %arg7: memref<32x80xi32, #tpu.memory_space<vmem>>, %arg8: memref<80x128xf32, #tpu.memory_space<vmem>>, %arg9: memref<80x128xf32, #tpu.memory_space<vmem>>, %arg10: memref<80x128xf32, #tpu.memory_space<vmem>>, %arg11: memref<80x128xf32, #tpu.memory_space<vmem>>, %arg12: memref<10240x128xf32, #tpu.memory_space<vmem_shared>>, %arg13: memref<!tpu.dma_semaphore, #tpu.memory_space<semaphore_mem>>, %arg14: memref<!tpu.dma_semaphore, #tpu.memory_space<semaphore_mem>>, %arg15: memref<!tpu.dma_semaphore, #tpu.memory_space<semaphore_mem>>, %arg16: memref<!tpu.dma_semaphore, #tpu.memory_space<semaphore_mem>>) attributes {dimension_semantics = [#tpu.dimension_semantics<core_parallel>, #tpu.dimension_semantics<subcore_parallel>], iteration_bounds = array<i64: 2, 16>, scalar_prefetch = 0 : i64, scratch_operands = 11 : i64, tpu.core_type = #tpu.core_type<sc_vector_subcore>, window_params = [{transform_indices = #map}, {transform_indices = #map1}, {transform_indices = #map2}, {transform_indices = #map}]} {
    %scan3A = arith.constant 0 : i32
    %scan3A_0 = arith.constant 80 : i32
    %scan3A_1 = arith.addi %scan3A, %scan3A_0 : i32
    %scan3A_2 = arith.constant 1 : i32
    scf.for %scan3A_20 = %scan3A to %scan3A_1 step %scan3A_2  : i32 {
      %mul3A_21 = arith.constant 1 : i32
      %mul3A_22 = arith.muli %scan3A_20, %mul3A_21 : i32
      %add3A_23 = arith.constant 0 : i32
      %add3A_24 = arith.addi %add3A_23, %mul3A_22 : i32
      %broadcast_in_dim3A = arith.constant 0.000000e+00 : f32
      %broadcast_in_dim3A_25 = vector.broadcast %broadcast_in_dim3A : f32 to vector<16xf32>
      %swap3A = arith.index_cast %add3A_24 : i32 to index
      %swap3A_26 = arith.constant 0 : index
      %swap3A_27 = tpu.vector_load %arg8[%swap3A, %swap3A_26] {strides = array<i32>} : memref<80x128xf32, #tpu.memory_space<vmem>>, vector<1x16xf32>,
      %swap3A_28 = vector.shape_cast %swap3A_27 : vector<1x16xf32> to vector<16xf32>
      %swap3A_29 = vector.shape_cast %broadcast_in_dim3A_25 : vector<16xf32> to vector<1x16xf32>
      tpu.vector_store %arg8[%swap3A, %swap3A_26], %swap3A_29 {strides = array<i32>} : memref<80x128xf32, #tpu.memory_space<vmem>>, vector<1x16xf32>,
      %broadcast_in_dim3A_30 = arith.constant 0.000000e+00 : f32
      %broadcast_in_dim3A_31 = vector.broadcast %broadcast_in_dim3A_30 : f32 to vector<16xf32>
      %swap3A_32 = arith.index_cast %add3A_24 : i32 to index
      %swap3A_33 = arith.constant 16 : index
      %swap3A_34 = tpu.vector_load %arg8[%swap3A_32, %swap3A_33] {strides = array<i32>} : memref<80x128xf32, #tpu.memory_space<vmem>>, vector<1x16xf32>,
      %swap3A_35 = vector.shape_cast %swap3A_34 : vector<1x16xf32> to vector<16xf32>
      %swap3A_36 = vector.shape_cast %broadcast_in_dim3A_31 : vector<16xf32> to vector<1x16xf32>
      tpu.vector_store %arg8[%swap3A_32, %swap3A_33], %swap3A_36 {strides = array<i32>} : memref<80x128xf32, #tpu.memory_space<vmem>>, vector<1x16xf32>,
      %broadcast_in_dim3A_37 = arith.constant 0.000000e+00 : f32
      %broadcast_in_dim3A_38 = vector.broadcast %broadcast_in_dim3A_37 : f32 to vector<16xf32>
      %swap3A_39 = arith.index_cast %add3A_24 : i32 to index
      %swap3A_40 = arith.constant 32 : index
      %swap3A_41 = tpu.vector_load %arg8[%swap3A_39, %swap3A_40] {strides = array<i32>} : memref<80x128xf32, #tpu.memory_space<vmem>>, vector<1x16xf32>,
      %swap3A_42 = vector.shape_cast %swap3A_41 : vector<1x16xf32> to vector<16xf32>
      %swap3A_43 = vector.shape_cast %broadcast_in_dim3A_38 : vector<16xf32> to vector<1x16xf32>
      tpu.vector_store %arg8[%swap3A_39, %swap3A_40], %swap3A_43 {strides = array<i32>} : memref<80x128xf32, #tpu.memory_space<vmem>>, vector<1x16xf32>,
      %broadcast_in_dim3A_44 = arith.constant 0.000000e+00 : f32
      %broadcast_in_dim3A_45 = vector.broadcast %broadcast_in_dim3A_44 : f32 to vector<16xf32>
      %swap3A_46 = arith.index_cast %add3A_24 : i32 to index
      %swap3A_47 = arith.constant 48 : index
      %swap3A_48 = tpu.vector_load %arg8[%swap3A_46, %swap3A_47] {strides = array<i32>} : memref<80x128xf32, #tpu.memory_space<vmem>>, vector<1x16xf32>,
      %swap3A_49 = vector.shape_cast %swap3A_48 : vector<1x16xf32> to vector<16xf32>
      %swap3A_50 = vector.shape_cast %broadcast_in_dim3A_45 : vector<16xf32> to vector<1x16xf32>
      tpu.vector_store %arg8[%swap3A_46, %swap3A_47], %swap3A_50 {strides = array<i32>} : memref<80x128xf32, #tpu.memory_space<vmem>>, vector<1x16xf32>,
      %broadcast_in_dim3A_51 = arith.constant 0.000000e+00 : f32
      %broadcast_in_dim3A_52 = vector.broadcast %broadcast_in_dim3A_51 : f32 to vector<16xf32>
      %swap3A_53 = arith.index_cast %add3A_24 : i32 to index
      %swap3A_54 = arith.constant 64 : index
      %swap3A_55 = tpu.vector_load %arg8[%swap3A_53, %swap3A_54] {strides = array<i32>} : memref<80x128xf32, #tpu.memory_space<vmem>>, vector<1x16xf32>,
      %swap3A_56 = vector.shape_cast %swap3A_55 : vector<1x16xf32> to vector<16xf32>
      %swap3A_57 = vector.shape_cast %broadcast_in_dim3A_52 : vector<16xf32> to vector<1x16xf32>
      tpu.vector_store %arg8[%swap3A_53, %swap3A_54], %swap3A_57 {strides = array<i32>} : memref<80x128xf32, #tpu.memory_space<vmem>>, vector<1x16xf32>,
      %broadcast_in_dim3A_58 = arith.constant 0.000000e+00 : f32
      %broadcast_in_dim3A_59 = vector.broadcast %broadcast_in_dim3A_58 : f32 to vector<16xf32>
      %swap3A_60 = arith.index_cast %add3A_24 : i32 to index
      %swap3A_61 = arith.constant 80 : index
      %swap3A_62 = tpu.vector_load %arg8[%swap3A_60, %swap3A_61] {strides = array<i32>} : memref<80x128xf32, #tpu.memory_space<vmem>>, vector<1x16xf32>,
      %swap3A_63 = vector.shape_cast %swap3A_62 : vector<1x16xf32> to vector<16xf32>
      %swap3A_64 = vector.shape_cast %broadcast_in_dim3A_59 : vector<16xf32> to vector<1x16xf32>
      tpu.vector_store %arg8[%swap3A_60, %swap3A_61], %swap3A_64 {strides = array<i32>} : memref<80x128xf32, #tpu.memory_space<vmem>>, vector<1x16xf32>,
      %broadcast_in_dim3A_65 = arith.constant 0.000000e+00 : f32
      %broadcast_in_dim3A_66 = vector.broadcast %broadcast_in_dim3A_65 : f32 to vector<16xf32>
      %swap3A_67 = arith.index_cast %add3A_24 : i32 to index
      %swap3A_68 = arith.constant 96 : index
      %swap3A_69 = tpu.vector_load %arg8[%swap3A_67, %swap3A_68] {strides = array<i32>} : memref<80x128xf32, #tpu.memory_space<vmem>>, vector<1x16xf32>,
      %swap3A_70 = vector.shape_cast %swap3A_69 : vector<1x16xf32> to vector<16xf32>
      %swap3A_71 = vector.shape_cast %broadcast_in_dim3A_66 : vector<16xf32> to vector<1x16xf32>
      tpu.vector_store %arg8[%swap3A_67, %swap3A_68], %swap3A_71 {strides = array<i32>} : memref<80x128xf32, #tpu.memory_space<vmem>>, vector<1x16xf32>,
      %broadcast_in_dim3A_72 = arith.constant 0.000000e+00 : f32
      %broadcast_in_dim3A_73 = vector.broadcast %broadcast_in_dim3A_72 : f32 to vector<16xf32>
      %swap3A_74 = arith.index_cast %add3A_24 : i32 to index
      %swap3A_75 = arith.constant 112 : index
      %swap3A_76 = tpu.vector_load %arg8[%swap3A_74, %swap3A_75] {strides = array<i32>} : memref<80x128xf32, #tpu.memory_space<vmem>>, vector<1x16xf32>,
      %swap3A_77 = vector.shape_cast %swap3A_76 : vector<1x16xf32> to vector<16xf32>
      %swap3A_78 = vector.shape_cast %broadcast_in_dim3A_73 : vector<16xf32> to vector<1x16xf32>
      tpu.vector_store %arg8[%swap3A_74, %swap3A_75], %swap3A_78 {strides = array<i32>} : memref<80x128xf32, #tpu.memory_space<vmem>>, vector<1x16xf32>,
    }
    %scan3A_3 = arith.constant 80 : i32
    %scan3A_4 = arith.constant 0 : i32
    %scan3A_5 = arith.constant 8 : i32
    %scan3A_6 = arith.addi %scan3A_4, %scan3A_5 : i32
    %scan3A_7 = arith.constant 1 : i32
    scf.for %scan3A_20 = %scan3A_4 to %scan3A_6 step %scan3A_7  : i32 {
      %mul3A_21 = arith.constant 1 : i32
      %mul3A_22 = arith.muli %scan3A_20, %mul3A_21 : i32
      %add3A_23 = arith.constant 0 : i32
      %add3A_24 = arith.addi %add3A_23, %mul3A_22 : i32
      %mul3A_25 = arith.constant 640 : i32
      %mul3A_26 = arith.muli %arg1, %mul3A_25 : i32
      %mul3A_27 = arith.constant 80 : i32
      %mul3A_28 = arith.muli %add3A_24, %mul3A_27 : i32
      %add3A_29 = arith.addi %mul3A_26, %mul3A_28 : i32
      "tpu.region"() ({
        %run_scoped3A = tpu.sem_alloc : memref<!tpu.dma_semaphore, #tpu.memory_space<semaphore_mem>>
        %dma_start3A = arith.constant 0 : i32
        %dma_start3A_30 = tpu.memref_slice %arg12[%add3A_29, %dma_start3A] : memref<10240x128xf32, #tpu.memory_space<vmem_shared>> -> memref<80x128xf32, #tpu.memory_space<vmem_shared>>
        %dma_start3A_31 = arith.constant 0 : i32
        %dma_start3A_32 = tpu.memref_slice %arg12[%add3A_29, %dma_start3A_31] : memref<10240x128xf32, #tpu.memory_space<vmem_shared>> -> memref<80x128xf32, #tpu.memory_space<vmem_shared>>
        tpu.enqueue_dma source(%arg8 : memref<80x128xf32, #tpu.memory_space<vmem>>) target(%dma_start3A_32 : memref<80x128xf32, #tpu.memory_space<vmem_shared>>) target_semaphore(%run_scoped3A : memref<!tpu.dma_semaphore, #tpu.memory_space<semaphore_mem>>)
        %dma_wait3A = arith.constant 0 : i32
        %dma_wait3A_33 = tpu.memref_slice %arg12[%add3A_29, %dma_wait3A] : memref<10240x128xf32, #tpu.memory_space<vmem_shared>> -> memref<80x128xf32, #tpu.memory_space<vmem_shared>>
        %dma_wait3A_34 = arith.constant 0 : i32
        %dma_wait3A_35 = tpu.memref_slice %arg12[%add3A_29, %dma_wait3A_34] : memref<10240x128xf32, #tpu.memory_space<vmem_shared>> -> memref<80x128xf32, #tpu.memory_space<vmem_shared>>
        tpu.wait_dma2 semaphore(%run_scoped3A : memref<!tpu.dma_semaphore, #tpu.memory_space<semaphore_mem>>) src(%arg8 : memref<80x128xf32, #tpu.memory_space<vmem>>) dst(%dma_wait3A_35 : memref<80x128xf32, #tpu.memory_space<vmem_shared>>)
        tpu.yield
      }) : () -> ()
    }
    %scan3A_8 = arith.constant 8 : i32
    %barrier3A = arith.constant 0 : index
    tpu.barrier barrier_id(%barrier3A)
    %scan3A_9 = arith.constant 0 : i32
    %scan3A_10 = arith.constant 8 : i32
    %scan3A_11 = arith.addi %scan3A_9, %scan3A_10 : i32
    %scan3A_12 = arith.constant 1 : i32
    scf.for %scan3A_20 = %scan3A_9 to %scan3A_11 step %scan3A_12  : i32 {
      %mul3A_21 = arith.constant 1 : i32
      %mul3A_22 = arith.muli %scan3A_20, %mul3A_21 : i32
      %add3A_23 = arith.constant 0 : i32
      %add3A_24 = arith.addi %add3A_23, %mul3A_22 : i32
      %mul3A_25 = arith.constant 32 : i32
      %mul3A_26 = arith.muli %add3A_24, %mul3A_25 : i32
      %multiple_of3A = tpu.assume_multiple %mul3A_26, 32 : i32
      "tpu.region"() ({
        %run_scoped3A = tpu.sem_alloc : memref<!tpu.dma_semaphore, #tpu.memory_space<semaphore_mem>>
        %dma_start3A_52 = arith.constant 0 : i32
        %dma_start3A_53 = tpu.memref_slice %arg3[%arg0, %arg1, %multiple_of3A, %dma_start3A_52] : memref<2x16x256x80xi32, #tpu.memory_space<hbm>> -> memref<1x1x32x80xi32, #tpu.memory_space<hbm>>
        %dma_start3A_54 = tpu.memref_squeeze %dma_start3A_53 : memref<1x1x32x80xi32, #tpu.memory_space<hbm>> -> memref<32x80xi32, #tpu.memory_space<hbm>>
        %dma_start3A_55 = arith.constant 0 : i32
        %dma_start3A_56 = tpu.memref_slice %arg3[%arg0, %arg1, %multiple_of3A, %dma_start3A_55] : memref<2x16x256x80xi32, #tpu.memory_space<hbm>> -> memref<1x1x32x80xi32, #tpu.memory_space<hbm>>
        %dma_start3A_57 = tpu.memref_squeeze %dma_start3A_56 : memref<1x1x32x80xi32, #tpu.memory_space<hbm>> -> memref<32x80xi32, #tpu.memory_space<hbm>>
        tpu.enqueue_dma source(%dma_start3A_57 : memref<32x80xi32, #tpu.memory_space<hbm>>) target(%arg6 : memref<32x80xi32, #tpu.memory_space<vmem>>) target_semaphore(%run_scoped3A : memref<!tpu.dma_semaphore, #tpu.memory_space<semaphore_mem>>)
        %dma_wait3A = arith.constant 0 : i32
        %dma_wait3A_58 = tpu.memref_slice %arg3[%arg0, %arg1, %multiple_of3A, %dma_wait3A] : memref<2x16x256x80xi32, #tpu.memory_space<hbm>> -> memref<1x1x32x80xi32, #tpu.memory_space<hbm>>
        %dma_wait3A_59 = tpu.memref_squeeze %dma_wait3A_58 : memref<1x1x32x80xi32, #tpu.memory_space<hbm>> -> memref<32x80xi32, #tpu.memory_space<hbm>>
        %dma_wait3A_60 = arith.constant 0 : i32
        %dma_wait3A_61 = tpu.memref_slice %arg3[%arg0, %arg1, %multiple_of3A, %dma_wait3A_60] : memref<2x16x256x80xi32, #tpu.memory_space<hbm>> -> memref<1x1x32x80xi32, #tpu.memory_space<hbm>>
        %dma_wait3A_62 = tpu.memref_squeeze %dma_wait3A_61 : memref<1x1x32x80xi32, #tpu.memory_space<hbm>> -> memref<32x80xi32, #tpu.memory_space<hbm>>
        tpu.wait_dma2 semaphore(%run_scoped3A : memref<!tpu.dma_semaphore, #tpu.memory_space<semaphore_mem>>) src(%dma_wait3A_62 : memref<32x80xi32, #tpu.memory_space<hbm>>) dst(%arg6 : memref<32x80xi32, #tpu.memory_space<vmem>>)
        tpu.yield
      }) : () -> ()
      "tpu.region"() ({
        %run_scoped3A = tpu.sem_alloc : memref<!tpu.dma_semaphore, #tpu.memory_space<semaphore_mem>>
        %dma_start3A_52 = arith.constant 0 : i32
        %dma_start3A_53 = tpu.memref_slice %arg4[%arg1, %multiple_of3A, %dma_start3A_52] : memref<16x256x80xi32, #tpu.memory_space<hbm>> -> memref<1x32x80xi32, #tpu.memory_space<hbm>>
        %dma_start3A_54 = tpu.memref_squeeze %dma_start3A_53 : memref<1x32x80xi32, #tpu.memory_space<hbm>> -> memref<32x80xi32, #tpu.memory_space<hbm>>
        %dma_start3A_55 = arith.constant 0 : i32
        %dma_start3A_56 = tpu.memref_slice %arg4[%arg1, %multiple_of3A, %dma_start3A_55] : memref<16x256x80xi32, #tpu.memory_space<hbm>> -> memref<1x32x80xi32, #tpu.memory_space<hbm>>
        %dma_start3A_57 = tpu.memref_squeeze %dma_start3A_56 : memref<1x32x80xi32, #tpu.memory_space<hbm>> -> memref<32x80xi32, #tpu.memory_space<hbm>>
        tpu.enqueue_dma source(%dma_start3A_57 : memref<32x80xi32, #tpu.memory_space<hbm>>) target(%arg7 : memref<32x80xi32, #tpu.memory_space<vmem>>) target_semaphore(%run_scoped3A : memref<!tpu.dma_semaphore, #tpu.memory_space<semaphore_mem>>)
        %dma_wait3A = arith.constant 0 : i32
        %dma_wait3A_58 = tpu.memref_slice %arg4[%arg1, %multiple_of3A, %dma_wait3A] : memref<16x256x80xi32, #tpu.memory_space<hbm>> -> memref<1x32x80xi32, #tpu.memory_space<hbm>>
        %dma_wait3A_59 = tpu.memref_squeeze %dma_wait3A_58 : memref<1x32x80xi32, #tpu.memory_space<hbm>> -> memref<32x80xi32, #tpu.memory_space<hbm>>
        %dma_wait3A_60 = arith.constant 0 : i32
        %dma_wait3A_61 = tpu.memref_slice %arg4[%arg1, %multiple_of3A, %dma_wait3A_60] : memref<16x256x80xi32, #tpu.memory_space<hbm>> -> memref<1x32x80xi32, #tpu.memory_space<hbm>>
        %dma_wait3A_62 = tpu.memref_squeeze %dma_wait3A_61 : memref<1x32x80xi32, #tpu.memory_space<hbm>> -> memref<32x80xi32, #tpu.memory_space<hbm>>
        tpu.wait_dma2 semaphore(%run_scoped3A : memref<!tpu.dma_semaphore, #tpu.memory_space<semaphore_mem>>) src(%dma_wait3A_62 : memref<32x80xi32, #tpu.memory_space<hbm>>) dst(%arg7 : memref<32x80xi32, #tpu.memory_space<vmem>>)
        tpu.yield
      }) : () -> ()
      %dma_start3A = arith.constant 0 : i32
      %dma_start3A_27 = arith.constant 0 : i32
      %dma_start3A_28 = tpu.memref_slice %arg6[%dma_start3A, %dma_start3A_27] : memref<32x80xi32, #tpu.memory_space<vmem>> -> memref<1x80xi32, #tpu.memory_space<vmem>>
      %dma_start3A_29 = tpu.memref_squeeze %dma_start3A_28 : memref<1x80xi32, #tpu.memory_space<vmem>> -> memref<80xi32, #tpu.memory_space<vmem>>
      %dma_start3A_30 = arith.constant 0 : i32
      %dma_start3A_31 = arith.constant 0 : i32
      %dma_start3A_32 = tpu.memref_slice %arg2[%dma_start3A_30, %dma_start3A_31] : memref<20480x128xf32, #tpu.memory_space<hbm>> -> memref<20480x128xf32, #tpu.memory_space<hbm>>
      tpu.enqueue_indirect_dma source(%dma_start3A_32 : memref<20480x128xf32, #tpu.memory_space<hbm>>) target(%arg8 : memref<80x128xf32, #tpu.memory_space<vmem>>) offsets(%dma_start3A_29 : memref<80xi32, #tpu.memory_space<vmem>>) semaphore(%arg13 : memref<!tpu.dma_semaphore, #tpu.memory_space<semaphore_mem>>)
      %dma_start3A_33 = arith.constant 1 : i32
      %dma_start3A_34 = arith.constant 0 : i32
      %dma_start3A_35 = tpu.memref_slice %arg6[%dma_start3A_33, %dma_start3A_34] : memref<32x80xi32, #tpu.memory_space<vmem>> -> memref<1x80xi32, #tpu.memory_space<vmem>>
      %dma_start3A_36 = tpu.memref_squeeze %dma_start3A_35 : memref<1x80xi32, #tpu.memory_space<vmem>> -> memref<80xi32, #tpu.memory_space<vmem>>
      %dma_start3A_37 = arith.constant 0 : i32
      %dma_start3A_38 = arith.constant 0 : i32
      %dma_start3A_39 = tpu.memref_slice %arg2[%dma_start3A_37, %dma_start3A_38] : memref<20480x128xf32, #tpu.memory_space<hbm>> -> memref<20480x128xf32, #tpu.memory_space<hbm>>
      tpu.enqueue_indirect_dma source(%dma_start3A_39 : memref<20480x128xf32, #tpu.memory_space<hbm>>) target(%arg9 : memref<80x128xf32, #tpu.memory_space<vmem>>) offsets(%dma_start3A_36 : memref<80xi32, #tpu.memory_space<vmem>>) semaphore(%arg14 : memref<!tpu.dma_semaphore, #tpu.memory_space<semaphore_mem>>)
      %dma_start3A_40 = arith.constant 2 : i32
      %dma_start3A_41 = arith.constant 0 : i32
      %dma_start3A_42 = tpu.memref_slice %arg6[%dma_start3A_40, %dma_start3A_41] : memref<32x80xi32, #tpu.memory_space<vmem>> -> memref<1x80xi32, #tpu.memory_space<vmem>>
      %dma_start3A_43 = tpu.memref_squeeze %dma_start3A_42 : memref<1x80xi32, #tpu.memory_space<vmem>> -> memref<80xi32, #tpu.memory_space<vmem>>
      %dma_start3A_44 = arith.constant 0 : i32
      %dma_start3A_45 = arith.constant 0 : i32
      %dma_start3A_46 = tpu.memref_slice %arg2[%dma_start3A_44, %dma_start3A_45] : memref<20480x128xf32, #tpu.memory_space<hbm>> -> memref<20480x128xf32, #tpu.memory_space<hbm>>
      tpu.enqueue_indirect_dma source(%dma_start3A_46 : memref<20480x128xf32, #tpu.memory_space<hbm>>) target(%arg10 : memref<80x128xf32, #tpu.memory_space<vmem>>) offsets(%dma_start3A_43 : memref<80xi32, #tpu.memory_space<vmem>>) semaphore(%arg15 : memref<!tpu.dma_semaphore, #tpu.memory_space<semaphore_mem>>)
      %scan3A_47 = arith.constant 0 : i32
      %scan3A_48 = arith.constant 8 : i32
      %scan3A_49 = arith.addi %scan3A_47, %scan3A_48 : i32
      %scan3A_50 = arith.constant 1 : i32
      scf.for %scan3A_52 = %scan3A_47 to %scan3A_49 step %scan3A_50  : i32 {
        %mul3A_53 = arith.constant 1 : i32
        %mul3A_54 = arith.muli %scan3A_52, %mul3A_53 : i32
        %add3A_55 = arith.constant 0 : i32
        %add3A_56 = arith.addi %add3A_55, %mul3A_54 : i32
        %mul3A_57 = arith.constant 4 : i32
        %mul3A_58 = arith.muli %add3A_56, %mul3A_57 : i32
        %dma_wait3A = arith.constant 0 : i32
        %dma_wait3A_59 = arith.constant 0 : i32
        %dma_wait3A_60 = tpu.memref_slice %arg2[%dma_wait3A, %dma_wait3A_59] : memref<20480x128xf32, #tpu.memory_space<hbm>> -> memref<80x128xf32, #tpu.memory_space<hbm>>
        %dma_wait3A_61 = arith.constant 0 : i32
        %dma_wait3A_62 = arith.constant 0 : i32
        %dma_wait3A_63 = tpu.memref_slice %arg2[%dma_wait3A_61, %dma_wait3A_62] : memref<20480x128xf32, #tpu.memory_space<hbm>> -> memref<80x128xf32, #tpu.memory_space<hbm>>
        tpu.wait_dma2 semaphore(%arg13 : memref<!tpu.dma_semaphore, #tpu.memory_space<semaphore_mem>>) src(%dma_wait3A_63 : memref<80x128xf32, #tpu.memory_space<hbm>>) dst(%arg8 : memref<80x128xf32, #tpu.memory_space<vmem>>)
        %add3A_64 = arith.constant 3 : i32
        %add3A_65 = arith.addi %mul3A_58, %add3A_64 : i32
        %dma_start3A_66 = arith.constant 0 : i32
        %dma_start3A_67 = tpu.memref_slice %arg6[%add3A_65, %dma_start3A_66] : memref<32x80xi32, #tpu.memory_space<vmem>> -> memref<1x80xi32, #tpu.memory_space<vmem>>
        %dma_start3A_68 = tpu.memref_squeeze %dma_start3A_67 : memref<1x80xi32, #tpu.memory_space<vmem>> -> memref<80xi32, #tpu.memory_space<vmem>>
        %dma_start3A_69 = arith.constant 0 : i32
        %dma_start3A_70 = arith.constant 0 : i32
        %dma_start3A_71 = tpu.memref_slice %arg2[%dma_start3A_69, %dma_start3A_70] : memref<20480x128xf32, #tpu.memory_space<hbm>> -> memref<20480x128xf32, #tpu.memory_space<hbm>>
        tpu.enqueue_indirect_dma source(%dma_start3A_71 : memref<20480x128xf32, #tpu.memory_space<hbm>>) target(%arg11 : memref<80x128xf32, #tpu.memory_space<vmem>>) offsets(%dma_start3A_68 : memref<80xi32, #tpu.memory_space<vmem>>) semaphore(%arg16 : memref<!tpu.dma_semaphore, #tpu.memory_space<semaphore_mem>>)
        "tpu.region"() ({
          %run_scoped3A = tpu.sem_alloc : memref<!tpu.dma_semaphore, #tpu.memory_space<semaphore_mem>>
          %dma_start3A_114 = arith.constant 0 : i32
          %dma_start3A_115 = tpu.memref_slice %arg7[%mul3A_58, %dma_start3A_114] : memref<32x80xi32, #tpu.memory_space<vmem>> -> memref<1x80xi32, #tpu.memory_space<vmem>>
          %dma_start3A_116 = tpu.memref_squeeze %dma_start3A_115 : memref<1x80xi32, #tpu.memory_space<vmem>> -> memref<80xi32, #tpu.memory_space<vmem>>
          %dma_start3A_117 = arith.constant 0 : i32
          %dma_start3A_118 = arith.constant 0 : i32
          %dma_start3A_119 = tpu.memref_slice %arg12[%dma_start3A_117, %dma_start3A_118] : memref<10240x128xf32, #tpu.memory_space<vmem_shared>> -> memref<10240x128xf32, #tpu.memory_space<vmem_shared>>
          tpu.enqueue_indirect_dma source(%arg8 : memref<80x128xf32, #tpu.memory_space<vmem>>) target(%dma_start3A_119 : memref<10240x128xf32, #tpu.memory_space<vmem_shared>>) offsets(%dma_start3A_116 : memref<80xi32, #tpu.memory_space<vmem>>) semaphore(%run_scoped3A : memref<!tpu.dma_semaphore, #tpu.memory_space<semaphore_mem>>) {add = true}
          %dma_wait3A_120 = arith.constant 0 : i32
          %dma_wait3A_121 = tpu.memref_slice %arg7[%mul3A_58, %dma_wait3A_120] : memref<32x80xi32, #tpu.memory_space<vmem>> -> memref<1x80xi32, #tpu.memory_space<vmem>>
          %dma_wait3A_122 = tpu.memref_squeeze %dma_wait3A_121 : memref<1x80xi32, #tpu.memory_space<vmem>> -> memref<80xi32, #tpu.memory_space<vmem>>
          %dma_wait3A_123 = arith.constant 0 : i32
          %dma_wait3A_124 = arith.constant 0 : i32
          %dma_wait3A_125 = tpu.memref_slice %arg12[%dma_wait3A_123, %dma_wait3A_124] : memref<10240x128xf32, #tpu.memory_space<vmem_shared>> -> memref<10240x128xf32, #tpu.memory_space<vmem_shared>>
          tpu.wait_indirect_dma semaphore(%run_scoped3A : memref<!tpu.dma_semaphore, #tpu.memory_space<semaphore_mem>>) src(%arg8 : memref<80x128xf32, #tpu.memory_space<vmem>>) dst(%dma_wait3A_125 : memref<10240x128xf32, #tpu.memory_space<vmem_shared>>)
          tpu.yield
        }) : () -> ()
        %dma_wait3A_72 = arith.constant 0 : i32
        %dma_wait3A_73 = arith.constant 0 : i32
        %dma_wait3A_74 = tpu.memref_slice %arg2[%dma_wait3A_72, %dma_wait3A_73] : memref<20480x128xf32, #tpu.memory_space<hbm>> -> memref<80x128xf32, #tpu.memory_space<hbm>>
        %dma_wait3A_75 = arith.constant 0 : i32
        %dma_wait3A_76 = arith.constant 0 : i32
        %dma_wait3A_77 = tpu.memref_slice %arg2[%dma_wait3A_75, %dma_wait3A_76] : memref<20480x128xf32, #tpu.memory_space<hbm>> -> memref<80x128xf32, #tpu.memory_space<hbm>>
        tpu.wait_dma2 semaphore(%arg14 : memref<!tpu.dma_semaphore, #tpu.memory_space<semaphore_mem>>) src(%dma_wait3A_77 : memref<80x128xf32, #tpu.memory_space<hbm>>) dst(%arg9 : memref<80x128xf32, #tpu.memory_space<vmem>>)
        %add3A_78 = arith.constant 4 : i32
        %add3A_79 = arith.addi %mul3A_58, %add3A_78 : i32
        %lt3A = arith.constant 32 : i32
        %lt3A_80 = arith.cmpi slt, %add3A_79, %lt3A : i32
        %convert_element_type3A = arith.extui %lt3A_80 : i1 to i32
        %cond3A = arith.constant 0 : i32
        %cond3A_81 = arith.cmpi ne, %convert_element_type3A, %cond3A : i32
        scf.if %cond3A_81 {
          %add3A_114 = arith.constant 4 : i32
          %add3A_115 = arith.addi %mul3A_58, %add3A_114 : i32
          %dma_start3A_116 = arith.constant 0 : i32
          %dma_start3A_117 = tpu.memref_slice %arg6[%add3A_115, %dma_start3A_116] : memref<32x80xi32, #tpu.memory_space<vmem>> -> memref<1x80xi32, #tpu.memory_space<vmem>>
          %dma_start3A_118 = tpu.memref_squeeze %dma_start3A_117 : memref<1x80xi32, #tpu.memory_space<vmem>> -> memref<80xi32, #tpu.memory_space<vmem>>
          %dma_start3A_119 = arith.constant 0 : i32
          %dma_start3A_120 = arith.constant 0 : i32
          %dma_start3A_121 = tpu.memref_slice %arg2[%dma_start3A_119, %dma_start3A_120] : memref<20480x128xf32, #tpu.memory_space<hbm>> -> memref<20480x128xf32, #tpu.memory_space<hbm>>
          tpu.enqueue_indirect_dma source(%dma_start3A_121 : memref<20480x128xf32, #tpu.memory_space<hbm>>) target(%arg8 : memref<80x128xf32, #tpu.memory_space<vmem>>) offsets(%dma_start3A_118 : memref<80xi32, #tpu.memory_space<vmem>>) semaphore(%arg13 : memref<!tpu.dma_semaphore, #tpu.memory_space<semaphore_mem>>)
        } else {
        }
        %add3A_82 = arith.constant 1 : i32
        %add3A_83 = arith.addi %mul3A_58, %add3A_82 : i32
        "tpu.region"() ({
          %run_scoped3A = tpu.sem_alloc : memref<!tpu.dma_semaphore, #tpu.memory_space<semaphore_mem>>
          %dma_start3A_114 = arith.constant 0 : i32
          %dma_start3A_115 = tpu.memref_slice %arg7[%add3A_83, %dma_start3A_114] : memref<32x80xi32, #tpu.memory_space<vmem>> -> memref<1x80xi32, #tpu.memory_space<vmem>>
          %dma_start3A_116 = tpu.memref_squeeze %dma_start3A_115 : memref<1x80xi32, #tpu.memory_space<vmem>> -> memref<80xi32, #tpu.memory_space<vmem>>
          %dma_start3A_117 = arith.constant 0 : i32
          %dma_start3A_118 = arith.constant 0 : i32
          %dma_start3A_119 = tpu.memref_slice %arg12[%dma_start3A_117, %dma_start3A_118] : memref<10240x128xf32, #tpu.memory_space<vmem_shared>> -> memref<10240x128xf32, #tpu.memory_space<vmem_shared>>
          tpu.enqueue_indirect_dma source(%arg9 : memref<80x128xf32, #tpu.memory_space<vmem>>) target(%dma_start3A_119 : memref<10240x128xf32, #tpu.memory_space<vmem_shared>>) offsets(%dma_start3A_116 : memref<80xi32, #tpu.memory_space<vmem>>) semaphore(%run_scoped3A : memref<!tpu.dma_semaphore, #tpu.memory_space<semaphore_mem>>) {add = true}
          %dma_wait3A_120 = arith.constant 0 : i32
          %dma_wait3A_121 = tpu.memref_slice %arg7[%add3A_83, %dma_wait3A_120] : memref<32x80xi32, #tpu.memory_space<vmem>> -> memref<1x80xi32, #tpu.memory_space<vmem>>
          %dma_wait3A_122 = tpu.memref_squeeze %dma_wait3A_121 : memref<1x80xi32, #tpu.memory_space<vmem>> -> memref<80xi32, #tpu.memory_space<vmem>>
          %dma_wait3A_123 = arith.constant 0 : i32
          %dma_wait3A_124 = arith.constant 0 : i32
          %dma_wait3A_125 = tpu.memref_slice %arg12[%dma_wait3A_123, %dma_wait3A_124] : memref<10240x128xf32, #tpu.memory_space<vmem_shared>> -> memref<10240x128xf32, #tpu.memory_space<vmem_shared>>
          tpu.wait_indirect_dma semaphore(%run_scoped3A : memref<!tpu.dma_semaphore, #tpu.memory_space<semaphore_mem>>) src(%arg9 : memref<80x128xf32, #tpu.memory_space<vmem>>) dst(%dma_wait3A_125 : memref<10240x128xf32, #tpu.memory_space<vmem_shared>>)
          tpu.yield
        }) : () -> ()
        %dma_wait3A_84 = arith.constant 0 : i32
        %dma_wait3A_85 = arith.constant 0 : i32
        %dma_wait3A_86 = tpu.memref_slice %arg2[%dma_wait3A_84, %dma_wait3A_85] : memref<20480x128xf32, #tpu.memory_space<hbm>> -> memref<80x128xf32, #tpu.memory_space<hbm>>
        %dma_wait3A_87 = arith.constant 0 : i32
        %dma_wait3A_88 = arith.constant 0 : i32
        %dma_wait3A_89 = tpu.memref_slice %arg2[%dma_wait3A_87, %dma_wait3A_88] : memref<20480x128xf32, #tpu.memory_space<hbm>> -> memref<80x128xf32, #tpu.memory_space<hbm>>
        tpu.wait_dma2 semaphore(%arg15 : memref<!tpu.dma_semaphore, #tpu.memory_space<semaphore_mem>>) src(%dma_wait3A_89 : memref<80x128xf32, #tpu.memory_space<hbm>>) dst(%arg10 : memref<80x128xf32, #tpu.memory_space<vmem>>)
        %add3A_90 = arith.constant 5 : i32
        %add3A_91 = arith.addi %mul3A_58, %add3A_90 : i32
        %lt3A_92 = arith.constant 32 : i32
        %lt3A_93 = arith.cmpi slt, %add3A_91, %lt3A_92 : i32
        %convert_element_type3A_94 = arith.extui %lt3A_93 : i1 to i32
        %cond3A_95 = arith.constant 0 : i32
        %cond3A_96 = arith.cmpi ne, %convert_element_type3A_94, %cond3A_95 : i32
        scf.if %cond3A_96 {
          %add3A_114 = arith.constant 5 : i32
          %add3A_115 = arith.addi %mul3A_58, %add3A_114 : i32
          %dma_start3A_116 = arith.constant 0 : i32
          %dma_start3A_117 = tpu.memref_slice %arg6[%add3A_115, %dma_start3A_116] : memref<32x80xi32, #tpu.memory_space<vmem>> -> memref<1x80xi32, #tpu.memory_space<vmem>>
          %dma_start3A_118 = tpu.memref_squeeze %dma_start3A_117 : memref<1x80xi32, #tpu.memory_space<vmem>> -> memref<80xi32, #tpu.memory_space<vmem>>
          %dma_start3A_119 = arith.constant 0 : i32
          %dma_start3A_120 = arith.constant 0 : i32
          %dma_start3A_121 = tpu.memref_slice %arg2[%dma_start3A_119, %dma_start3A_120] : memref<20480x128xf32, #tpu.memory_space<hbm>> -> memref<20480x128xf32, #tpu.memory_space<hbm>>
          tpu.enqueue_indirect_dma source(%dma_start3A_121 : memref<20480x128xf32, #tpu.memory_space<hbm>>) target(%arg9 : memref<80x128xf32, #tpu.memory_space<vmem>>) offsets(%dma_start3A_118 : memref<80xi32, #tpu.memory_space<vmem>>) semaphore(%arg14 : memref<!tpu.dma_semaphore, #tpu.memory_space<semaphore_mem>>)
        } else {
        }
        %add3A_97 = arith.constant 2 : i32
        %add3A_98 = arith.addi %mul3A_58, %add3A_97 : i32
        "tpu.region"() ({
          %run_scoped3A = tpu.sem_alloc : memref<!tpu.dma_semaphore, #tpu.memory_space<semaphore_mem>>
          %dma_start3A_114 = arith.constant 0 : i32
          %dma_start3A_115 = tpu.memref_slice %arg7[%add3A_98, %dma_start3A_114] : memref<32x80xi32, #tpu.memory_space<vmem>> -> memref<1x80xi32, #tpu.memory_space<vmem>>
          %dma_start3A_116 = tpu.memref_squeeze %dma_start3A_115 : memref<1x80xi32, #tpu.memory_space<vmem>> -> memref<80xi32, #tpu.memory_space<vmem>>
          %dma_start3A_117 = arith.constant 0 : i32
          %dma_start3A_118 = arith.constant 0 : i32
          %dma_start3A_119 = tpu.memref_slice %arg12[%dma_start3A_117, %dma_start3A_118] : memref<10240x128xf32, #tpu.memory_space<vmem_shared>> -> memref<10240x128xf32, #tpu.memory_space<vmem_shared>>
          tpu.enqueue_indirect_dma source(%arg10 : memref<80x128xf32, #tpu.memory_space<vmem>>) target(%dma_start3A_119 : memref<10240x128xf32, #tpu.memory_space<vmem_shared>>) offsets(%dma_start3A_116 : memref<80xi32, #tpu.memory_space<vmem>>) semaphore(%run_scoped3A : memref<!tpu.dma_semaphore, #tpu.memory_space<semaphore_mem>>) {add = true}
          %dma_wait3A_120 = arith.constant 0 : i32
          %dma_wait3A_121 = tpu.memref_slice %arg7[%add3A_98, %dma_wait3A_120] : memref<32x80xi32, #tpu.memory_space<vmem>> -> memref<1x80xi32, #tpu.memory_space<vmem>>
          %dma_wait3A_122 = tpu.memref_squeeze %dma_wait3A_121 : memref<1x80xi32, #tpu.memory_space<vmem>> -> memref<80xi32, #tpu.memory_space<vmem>>
          %dma_wait3A_123 = arith.constant 0 : i32
          %dma_wait3A_124 = arith.constant 0 : i32
          %dma_wait3A_125 = tpu.memref_slice %arg12[%dma_wait3A_123, %dma_wait3A_124] : memref<10240x128xf32, #tpu.memory_space<vmem_shared>> -> memref<10240x128xf32, #tpu.memory_space<vmem_shared>>
          tpu.wait_indirect_dma semaphore(%run_scoped3A : memref<!tpu.dma_semaphore, #tpu.memory_space<semaphore_mem>>) src(%arg10 : memref<80x128xf32, #tpu.memory_space<vmem>>) dst(%dma_wait3A_125 : memref<10240x128xf32, #tpu.memory_space<vmem_shared>>)
          tpu.yield
        }) : () -> ()
        %dma_wait3A_99 = arith.constant 0 : i32
        %dma_wait3A_100 = arith.constant 0 : i32
        %dma_wait3A_101 = tpu.memref_slice %arg2[%dma_wait3A_99, %dma_wait3A_100] : memref<20480x128xf32, #tpu.memory_space<hbm>> -> memref<80x128xf32, #tpu.memory_space<hbm>>
        %dma_wait3A_102 = arith.constant 0 : i32
        %dma_wait3A_103 = arith.constant 0 : i32
        %dma_wait3A_104 = tpu.memref_slice %arg2[%dma_wait3A_102, %dma_wait3A_103] : memref<20480x128xf32, #tpu.memory_space<hbm>> -> memref<80x128xf32, #tpu.memory_space<hbm>>
        tpu.wait_dma2 semaphore(%arg16 : memref<!tpu.dma_semaphore, #tpu.memory_space<semaphore_mem>>) src(%dma_wait3A_104 : memref<80x128xf32, #tpu.memory_space<hbm>>) dst(%arg11 : memref<80x128xf32, #tpu.memory_space<vmem>>)
        %add3A_105 = arith.constant 6 : i32
        %add3A_106 = arith.addi %mul3A_58, %add3A_105 : i32
        %lt3A_107 = arith.constant 32 : i32
        %lt3A_108 = arith.cmpi slt, %add3A_106, %lt3A_107 : i32
        %convert_element_type3A_109 = arith.extui %lt3A_108 : i1 to i32
        %cond3A_110 = arith.constant 0 : i32
        %cond3A_111 = arith.cmpi ne, %convert_element_type3A_109, %cond3A_110 : i32
        scf.if %cond3A_111 {
          %add3A_114 = arith.constant 6 : i32
          %add3A_115 = arith.addi %mul3A_58, %add3A_114 : i32
          %dma_start3A_116 = arith.constant 0 : i32
          %dma_start3A_117 = tpu.memref_slice %arg6[%add3A_115, %dma_start3A_116] : memref<32x80xi32, #tpu.memory_space<vmem>> -> memref<1x80xi32, #tpu.memory_space<vmem>>
          %dma_start3A_118 = tpu.memref_squeeze %dma_start3A_117 : memref<1x80xi32, #tpu.memory_space<vmem>> -> memref<80xi32, #tpu.memory_space<vmem>>
          %dma_start3A_119 = arith.constant 0 : i32
          %dma_start3A_120 = arith.constant 0 : i32
          %dma_start3A_121 = tpu.memref_slice %arg2[%dma_start3A_119, %dma_start3A_120] : memref<20480x128xf32, #tpu.memory_space<hbm>> -> memref<20480x128xf32, #tpu.memory_space<hbm>>
          tpu.enqueue_indirect_dma source(%dma_start3A_121 : memref<20480x128xf32, #tpu.memory_space<hbm>>) target(%arg10 : memref<80x128xf32, #tpu.memory_space<vmem>>) offsets(%dma_start3A_118 : memref<80xi32, #tpu.memory_space<vmem>>) semaphore(%arg15 : memref<!tpu.dma_semaphore, #tpu.memory_space<semaphore_mem>>)
        } else {
        }
        %add3A_112 = arith.constant 3 : i32
        %add3A_113 = arith.addi %mul3A_58, %add3A_112 : i32
        "tpu.region"() ({
          %run_scoped3A = tpu.sem_alloc : memref<!tpu.dma_semaphore, #tpu.memory_space<semaphore_mem>>
          %dma_start3A_114 = arith.constant 0 : i32
          %dma_start3A_115 = tpu.memref_slice %arg7[%add3A_113, %dma_start3A_114] : memref<32x80xi32, #tpu.memory_space<vmem>> -> memref<1x80xi32, #tpu.memory_space<vmem>>
          %dma_start3A_116 = tpu.memref_squeeze %dma_start3A_115 : memref<1x80xi32, #tpu.memory_space<vmem>> -> memref<80xi32, #tpu.memory_space<vmem>>
          %dma_start3A_117 = arith.constant 0 : i32
          %dma_start3A_118 = arith.constant 0 : i32
          %dma_start3A_119 = tpu.memref_slice %arg12[%dma_start3A_117, %dma_start3A_118] : memref<10240x128xf32, #tpu.memory_space<vmem_shared>> -> memref<10240x128xf32, #tpu.memory_space<vmem_shared>>
          tpu.enqueue_indirect_dma source(%arg11 : memref<80x128xf32, #tpu.memory_space<vmem>>) target(%dma_start3A_119 : memref<10240x128xf32, #tpu.memory_space<vmem_shared>>) offsets(%dma_start3A_116 : memref<80xi32, #tpu.memory_space<vmem>>) semaphore(%run_scoped3A : memref<!tpu.dma_semaphore, #tpu.memory_space<semaphore_mem>>) {add = true}
          %dma_wait3A_120 = arith.constant 0 : i32
          %dma_wait3A_121 = tpu.memref_slice %arg7[%add3A_113, %dma_wait3A_120] : memref<32x80xi32, #tpu.memory_space<vmem>> -> memref<1x80xi32, #tpu.memory_space<vmem>>
          %dma_wait3A_122 = tpu.memref_squeeze %dma_wait3A_121 : memref<1x80xi32, #tpu.memory_space<vmem>> -> memref<80xi32, #tpu.memory_space<vmem>>
          %dma_wait3A_123 = arith.constant 0 : i32
          %dma_wait3A_124 = arith.constant 0 : i32
          %dma_wait3A_125 = tpu.memref_slice %arg12[%dma_wait3A_123, %dma_wait3A_124] : memref<10240x128xf32, #tpu.memory_space<vmem_shared>> -> memref<10240x128xf32, #tpu.memory_space<vmem_shared>>
          tpu.wait_indirect_dma semaphore(%run_scoped3A : memref<!tpu.dma_semaphore, #tpu.memory_space<semaphore_mem>>) src(%arg11 : memref<80x128xf32, #tpu.memory_space<vmem>>) dst(%dma_wait3A_125 : memref<10240x128xf32, #tpu.memory_space<vmem_shared>>)
          tpu.yield
        }) : () -> ()
      }
      %scan3A_51 = arith.constant 8 : i32
    }
    %scan3A_13 = arith.constant 8 : i32
    %barrier3A_14 = arith.constant 0 : index
    tpu.barrier barrier_id(%barrier3A_14)
    %mul3A = arith.constant 640 : i32
    %mul3A_15 = arith.muli %arg1, %mul3A : i32
    %mul3A_16 = arith.constant 10240 : i32
    %mul3A_17 = arith.muli %arg0, %mul3A_16 : i32
    %mul3A_18 = arith.constant 640 : i32
    %mul3A_19 = arith.muli %arg1, %mul3A_18 : i32
    %add3A = arith.addi %mul3A_17, %mul3A_19 : i32
    "tpu.region"() ({
      %run_scoped3A = tpu.sem_alloc : memref<!tpu.dma_semaphore, #tpu.memory_space<semaphore_mem>>
      %dma_start3A = arith.constant 0 : i32
      %dma_start3A_20 = tpu.memref_slice %arg5[%add3A, %dma_start3A] : memref<20480x128xf32, #tpu.memory_space<hbm>> -> memref<640x128xf32, #tpu.memory_space<hbm>>
      %dma_start3A_21 = arith.constant 0 : i32
      %dma_start3A_22 = tpu.memref_slice %arg12[%mul3A_15, %dma_start3A_21] : memref<10240x128xf32, #tpu.memory_space<vmem_shared>> -> memref<640x128xf32, #tpu.memory_space<vmem_shared>>
      tpu.enqueue_dma source(%dma_start3A_22 : memref<640x128xf32, #tpu.memory_space<vmem_shared>>) target(%dma_start3A_20 : memref<640x128xf32, #tpu.memory_space<hbm>>) target_semaphore(%run_scoped3A : memref<!tpu.dma_semaphore, #tpu.memory_space<semaphore_mem>>)
      %dma_wait3A = arith.constant 0 : i32
      %dma_wait3A_23 = tpu.memref_slice %arg5[%add3A, %dma_wait3A] : memref<20480x128xf32, #tpu.memory_space<hbm>> -> memref<640x128xf32, #tpu.memory_space<hbm>>
      %dma_wait3A_24 = arith.constant 0 : i32
      %dma_wait3A_25 = tpu.memref_slice %arg12[%mul3A_15, %dma_wait3A_24] : memref<10240x128xf32, #tpu.memory_space<vmem_shared>> -> memref<640x128xf32, #tpu.memory_space<vmem_shared>>
      tpu.wait_dma2 semaphore(%run_scoped3A : memref<!tpu.dma_semaphore, #tpu.memory_space<semaphore_mem>>) src(%dma_wait3A_25 : memref<640x128xf32, #tpu.memory_space<vmem_shared>>) dst(%dma_wait3A_23 : memref<640x128xf32, #tpu.memory_space<hbm>>)
      tpu.yield
    }) : () -> ()
    return
  }
}

#map = affine_map<(d0, d1) -> (0, 0, 0)>
#map1 = affine_map<(d0, d1) -> (0)>
module attributes {stable_mosaic.version = 14 : i64} {
  func.func @_deg_body(%arg0: i32, %arg1: i32, %arg2: memref<16x160x128xi32, #tpu.memory_space<hbm>>, %arg3: memref<20480xf32, #tpu.memory_space<hbm>>, %arg4: memref<80x128xi32, #tpu.memory_space<vmem>>, %arg5: memref<128xf32, #tpu.memory_space<vmem>>, %arg6: memref<640xf32, #tpu.memory_space<vmem>>, %arg7: memref<10240xf32, #tpu.memory_space<vmem_shared>>, %arg8: memref<!tpu.dma_semaphore, #tpu.memory_space<semaphore_mem>>) attributes {dimension_semantics = [#tpu.dimension_semantics<core_parallel>, #tpu.dimension_semantics<subcore_parallel>], iteration_bounds = array<i64: 2, 16>, scalar_prefetch = 0 : i64, scratch_operands = 5 : i64, tpu.core_type = #tpu.core_type<sc_vector_subcore>, window_params = [{transform_indices = #map}, {transform_indices = #map1}]} {
    %mul3A = arith.constant 80 : i32
    %mul3A_0 = arith.muli %mul3A, %arg0 : i32
    "tpu.region"() ({
      %run_scoped3A = tpu.sem_alloc : memref<!tpu.dma_semaphore, #tpu.memory_space<semaphore_mem>>
      %dma_start3A = arith.constant 0 : i32
      %dma_start3A_70 = tpu.memref_slice %arg2[%arg1, %mul3A_0, %dma_start3A] : memref<16x160x128xi32, #tpu.memory_space<hbm>> -> memref<1x80x128xi32, #tpu.memory_space<hbm>>
      %dma_start3A_71 = tpu.memref_squeeze %dma_start3A_70 : memref<1x80x128xi32, #tpu.memory_space<hbm>> -> memref<80x128xi32, #tpu.memory_space<hbm>>
      %dma_start3A_72 = arith.constant 0 : i32
      %dma_start3A_73 = tpu.memref_slice %arg2[%arg1, %mul3A_0, %dma_start3A_72] : memref<16x160x128xi32, #tpu.memory_space<hbm>> -> memref<1x80x128xi32, #tpu.memory_space<hbm>>
      %dma_start3A_74 = tpu.memref_squeeze %dma_start3A_73 : memref<1x80x128xi32, #tpu.memory_space<hbm>> -> memref<80x128xi32, #tpu.memory_space<hbm>>
      tpu.enqueue_dma source(%dma_start3A_74 : memref<80x128xi32, #tpu.memory_space<hbm>>) target(%arg4 : memref<80x128xi32, #tpu.memory_space<vmem>>) target_semaphore(%run_scoped3A : memref<!tpu.dma_semaphore, #tpu.memory_space<semaphore_mem>>)
      %dma_wait3A = arith.constant 0 : i32
      %dma_wait3A_75 = tpu.memref_slice %arg2[%arg1, %mul3A_0, %dma_wait3A] : memref<16x160x128xi32, #tpu.memory_space<hbm>> -> memref<1x80x128xi32, #tpu.memory_space<hbm>>
      %dma_wait3A_76 = tpu.memref_squeeze %dma_wait3A_75 : memref<1x80x128xi32, #tpu.memory_space<hbm>> -> memref<80x128xi32, #tpu.memory_space<hbm>>
      %dma_wait3A_77 = arith.constant 0 : i32
      %dma_wait3A_78 = tpu.memref_slice %arg2[%arg1, %mul3A_0, %dma_wait3A_77] : memref<16x160x128xi32, #tpu.memory_space<hbm>> -> memref<1x80x128xi32, #tpu.memory_space<hbm>>
      %dma_wait3A_79 = tpu.memref_squeeze %dma_wait3A_78 : memref<1x80x128xi32, #tpu.memory_space<hbm>> -> memref<80x128xi32, #tpu.memory_space<hbm>>
      tpu.wait_dma2 semaphore(%run_scoped3A : memref<!tpu.dma_semaphore, #tpu.memory_space<semaphore_mem>>) src(%dma_wait3A_79 : memref<80x128xi32, #tpu.memory_space<hbm>>) dst(%arg4 : memref<80x128xi32, #tpu.memory_space<vmem>>)
      tpu.yield
    }) : () -> ()
    %broadcast_in_dim3A = arith.constant 1.000000e+00 : f32
    %broadcast_in_dim3A_1 = vector.broadcast %broadcast_in_dim3A : f32 to vector<16xf32>
    %swap3A = arith.constant 0 : index
    %swap3A_2 = tpu.vector_load %arg5[%swap3A] {strides = array<i32>} : memref<128xf32, #tpu.memory_space<vmem>>, vector<16xf32>,
    %swap3A_3 = vector.shape_cast %swap3A_2 : vector<16xf32> to vector<16xf32>
    %swap3A_4 = vector.shape_cast %broadcast_in_dim3A_1 : vector<16xf32> to vector<16xf32>
    tpu.vector_store %arg5[%swap3A], %swap3A_4 {strides = array<i32>} : memref<128xf32, #tpu.memory_space<vmem>>, vector<16xf32>,
    %broadcast_in_dim3A_5 = arith.constant 1.000000e+00 : f32
    %broadcast_in_dim3A_6 = vector.broadcast %broadcast_in_dim3A_5 : f32 to vector<16xf32>
    %swap3A_7 = arith.constant 16 : index
    %swap3A_8 = tpu.vector_load %arg5[%swap3A_7] {strides = array<i32>} : memref<128xf32, #tpu.memory_space<vmem>>, vector<16xf32>,
    %swap3A_9 = vector.shape_cast %swap3A_8 : vector<16xf32> to vector<16xf32>
    %swap3A_10 = vector.shape_cast %broadcast_in_dim3A_6 : vector<16xf32> to vector<16xf32>
    tpu.vector_store %arg5[%swap3A_7], %swap3A_10 {strides = array<i32>} : memref<128xf32, #tpu.memory_space<vmem>>, vector<16xf32>,
    %broadcast_in_dim3A_11 = arith.constant 1.000000e+00 : f32
    %broadcast_in_dim3A_12 = vector.broadcast %broadcast_in_dim3A_11 : f32 to vector<16xf32>
    %swap3A_13 = arith.constant 32 : index
    %swap3A_14 = tpu.vector_load %arg5[%swap3A_13] {strides = array<i32>} : memref<128xf32, #tpu.memory_space<vmem>>, vector<16xf32>,
    %swap3A_15 = vector.shape_cast %swap3A_14 : vector<16xf32> to vector<16xf32>
    %swap3A_16 = vector.shape_cast %broadcast_in_dim3A_12 : vector<16xf32> to vector<16xf32>
    tpu.vector_store %arg5[%swap3A_13], %swap3A_16 {strides = array<i32>} : memref<128xf32, #tpu.memory_space<vmem>>, vector<16xf32>,
    %broadcast_in_dim3A_17 = arith.constant 1.000000e+00 : f32
    %broadcast_in_dim3A_18 = vector.broadcast %broadcast_in_dim3A_17 : f32 to vector<16xf32>
    %swap3A_19 = arith.constant 48 : index
    %swap3A_20 = tpu.vector_load %arg5[%swap3A_19] {strides = array<i32>} : memref<128xf32, #tpu.memory_space<vmem>>, vector<16xf32>,
    %swap3A_21 = vector.shape_cast %swap3A_20 : vector<16xf32> to vector<16xf32>
    %swap3A_22 = vector.shape_cast %broadcast_in_dim3A_18 : vector<16xf32> to vector<16xf32>
    tpu.vector_store %arg5[%swap3A_19], %swap3A_22 {strides = array<i32>} : memref<128xf32, #tpu.memory_space<vmem>>, vector<16xf32>,
    %broadcast_in_dim3A_23 = arith.constant 1.000000e+00 : f32
    %broadcast_in_dim3A_24 = vector.broadcast %broadcast_in_dim3A_23 : f32 to vector<16xf32>
    %swap3A_25 = arith.constant 64 : index
    %swap3A_26 = tpu.vector_load %arg5[%swap3A_25] {strides = array<i32>} : memref<128xf32, #tpu.memory_space<vmem>>, vector<16xf32>,
    %swap3A_27 = vector.shape_cast %swap3A_26 : vector<16xf32> to vector<16xf32>
    %swap3A_28 = vector.shape_cast %broadcast_in_dim3A_24 : vector<16xf32> to vector<16xf32>
    tpu.vector_store %arg5[%swap3A_25], %swap3A_28 {strides = array<i32>} : memref<128xf32, #tpu.memory_space<vmem>>, vector<16xf32>,
    %broadcast_in_dim3A_29 = arith.constant 1.000000e+00 : f32
    %broadcast_in_dim3A_30 = vector.broadcast %broadcast_in_dim3A_29 : f32 to vector<16xf32>
    %swap3A_31 = arith.constant 80 : index
    %swap3A_32 = tpu.vector_load %arg5[%swap3A_31] {strides = array<i32>} : memref<128xf32, #tpu.memory_space<vmem>>, vector<16xf32>,
    %swap3A_33 = vector.shape_cast %swap3A_32 : vector<16xf32> to vector<16xf32>
    %swap3A_34 = vector.shape_cast %broadcast_in_dim3A_30 : vector<16xf32> to vector<16xf32>
    tpu.vector_store %arg5[%swap3A_31], %swap3A_34 {strides = array<i32>} : memref<128xf32, #tpu.memory_space<vmem>>, vector<16xf32>,
    %broadcast_in_dim3A_35 = arith.constant 1.000000e+00 : f32
    %broadcast_in_dim3A_36 = vector.broadcast %broadcast_in_dim3A_35 : f32 to vector<16xf32>
    %swap3A_37 = arith.constant 96 : index
    %swap3A_38 = tpu.vector_load %arg5[%swap3A_37] {strides = array<i32>} : memref<128xf32, #tpu.memory_space<vmem>>, vector<16xf32>,
    %swap3A_39 = vector.shape_cast %swap3A_38 : vector<16xf32> to vector<16xf32>
    %swap3A_40 = vector.shape_cast %broadcast_in_dim3A_36 : vector<16xf32> to vector<16xf32>
    tpu.vector_store %arg5[%swap3A_37], %swap3A_40 {strides = array<i32>} : memref<128xf32, #tpu.memory_space<vmem>>, vector<16xf32>,
    %broadcast_in_dim3A_41 = arith.constant 1.000000e+00 : f32
    %broadcast_in_dim3A_42 = vector.broadcast %broadcast_in_dim3A_41 : f32 to vector<16xf32>
    %swap3A_43 = arith.constant 112 : index
    %swap3A_44 = tpu.vector_load %arg5[%swap3A_43] {strides = array<i32>} : memref<128xf32, #tpu.memory_space<vmem>>, vector<16xf32>,
    %swap3A_45 = vector.shape_cast %swap3A_44 : vector<16xf32> to vector<16xf32>
    %swap3A_46 = vector.shape_cast %broadcast_in_dim3A_42 : vector<16xf32> to vector<16xf32>
    tpu.vector_store %arg5[%swap3A_43], %swap3A_46 {strides = array<i32>} : memref<128xf32, #tpu.memory_space<vmem>>, vector<16xf32>,
    %scan3A = arith.constant 0 : i32
    %scan3A_47 = arith.constant 40 : i32
    %scan3A_48 = arith.addi %scan3A, %scan3A_47 : i32
    %scan3A_49 = arith.constant 1 : i32
    scf.for %scan3A_70 = %scan3A to %scan3A_48 step %scan3A_49  : i32 {
      %mul3A_71 = arith.constant 16 : i32
      %mul3A_72 = arith.muli %scan3A_70, %mul3A_71 : i32
      %add3A_73 = arith.constant 0 : i32
      %add3A_74 = arith.addi %add3A_73, %mul3A_72 : i32
      %broadcast_in_dim3A_75 = arith.constant 0.000000e+00 : f32
      %broadcast_in_dim3A_76 = vector.broadcast %broadcast_in_dim3A_75 : f32 to vector<16xf32>
      %swap3A_77 = arith.index_cast %add3A_74 : i32 to index
      %swap3A_78 = tpu.vector_load %arg6[%swap3A_77] {strides = array<i32>} : memref<640xf32, #tpu.memory_space<vmem>>, vector<16xf32>,
      %swap3A_79 = vector.shape_cast %swap3A_78 : vector<16xf32> to vector<16xf32>
      %swap3A_80 = vector.shape_cast %broadcast_in_dim3A_76 : vector<16xf32> to vector<16xf32>
      tpu.vector_store %arg6[%swap3A_77], %swap3A_80 {strides = array<i32>} : memref<640xf32, #tpu.memory_space<vmem>>, vector<16xf32>,
    }
    %scan3A_50 = arith.constant 40 : i32
    %mul3A_51 = arith.constant 640 : i32
    %mul3A_52 = arith.muli %arg1, %mul3A_51 : i32
    "tpu.region"() ({
      %run_scoped3A = tpu.sem_alloc : memref<!tpu.dma_semaphore, #tpu.memory_space<semaphore_mem>>
      %dma_start3A = tpu.memref_slice %arg7[%mul3A_52] : memref<10240xf32, #tpu.memory_space<vmem_shared>> -> memref<640xf32, #tpu.memory_space<vmem_shared>>
      %dma_start3A_70 = tpu.memref_slice %arg7[%mul3A_52] : memref<10240xf32, #tpu.memory_space<vmem_shared>> -> memref<640xf32, #tpu.memory_space<vmem_shared>>
      tpu.enqueue_dma source(%arg6 : memref<640xf32, #tpu.memory_space<vmem>>) target(%dma_start3A_70 : memref<640xf32, #tpu.memory_space<vmem_shared>>) target_semaphore(%run_scoped3A : memref<!tpu.dma_semaphore, #tpu.memory_space<semaphore_mem>>)
      %dma_wait3A = tpu.memref_slice %arg7[%mul3A_52] : memref<10240xf32, #tpu.memory_space<vmem_shared>> -> memref<640xf32, #tpu.memory_space<vmem_shared>>
      %dma_wait3A_71 = tpu.memref_slice %arg7[%mul3A_52] : memref<10240xf32, #tpu.memory_space<vmem_shared>> -> memref<640xf32, #tpu.memory_space<vmem_shared>>
      tpu.wait_dma2 semaphore(%run_scoped3A : memref<!tpu.dma_semaphore, #tpu.memory_space<semaphore_mem>>) src(%arg6 : memref<640xf32, #tpu.memory_space<vmem>>) dst(%dma_wait3A_71 : memref<640xf32, #tpu.memory_space<vmem_shared>>)
      tpu.yield
    }) : () -> ()
    %barrier3A = arith.constant 0 : index
    tpu.barrier barrier_id(%barrier3A)
    %scan3A_53 = arith.constant 0 : i32
    %scan3A_54 = arith.constant 80 : i32
    %scan3A_55 = arith.addi %scan3A_53, %scan3A_54 : i32
    %scan3A_56 = arith.constant 1 : i32
    scf.for %scan3A_70 = %scan3A_53 to %scan3A_55 step %scan3A_56  : i32 {
      %mul3A_71 = arith.constant 1 : i32
      %mul3A_72 = arith.muli %scan3A_70, %mul3A_71 : i32
      %add3A_73 = arith.constant 0 : i32
      %add3A_74 = arith.addi %add3A_73, %mul3A_72 : i32
      %dma_start3A = arith.constant 0 : i32
      %dma_start3A_75 = tpu.memref_slice %arg4[%add3A_74, %dma_start3A] : memref<80x128xi32, #tpu.memory_space<vmem>> -> memref<1x128xi32, #tpu.memory_space<vmem>>
      %dma_start3A_76 = tpu.memref_squeeze %dma_start3A_75 : memref<1x128xi32, #tpu.memory_space<vmem>> -> memref<128xi32, #tpu.memory_space<vmem>>
      %dma_start3A_77 = arith.constant 0 : i32
      %dma_start3A_78 = tpu.memref_slice %arg7[%dma_start3A_77] : memref<10240xf32, #tpu.memory_space<vmem_shared>> -> memref<10240xf32, #tpu.memory_space<vmem_shared>>
      tpu.enqueue_indirect_dma source(%arg5 : memref<128xf32, #tpu.memory_space<vmem>>) target(%dma_start3A_78 : memref<10240xf32, #tpu.memory_space<vmem_shared>>) offsets(%dma_start3A_76 : memref<128xi32, #tpu.memory_space<vmem>>) semaphore(%arg8 : memref<!tpu.dma_semaphore, #tpu.memory_space<semaphore_mem>>) {add = true}
    }
    %scan3A_57 = arith.constant 80 : i32
    %scan3A_58 = arith.constant 0 : i32
    %scan3A_59 = arith.constant 80 : i32
    %scan3A_60 = arith.addi %scan3A_58, %scan3A_59 : i32
    %scan3A_61 = arith.constant 1 : i32
    scf.for %scan3A_70 = %scan3A_58 to %scan3A_60 step %scan3A_61  : i32 {
      %mul3A_71 = arith.constant 1 : i32
      %mul3A_72 = arith.muli %scan3A_70, %mul3A_71 : i32
      %add3A_73 = arith.constant 0 : i32
      %add3A_74 = arith.addi %add3A_73, %mul3A_72 : i32
      %dma_wait3A = arith.constant 0 : i32
      %dma_wait3A_75 = tpu.memref_slice %arg7[%dma_wait3A] : memref<10240xf32, #tpu.memory_space<vmem_shared>> -> memref<128xf32, #tpu.memory_space<vmem_shared>>
      %dma_wait3A_76 = arith.constant 0 : i32
      %dma_wait3A_77 = tpu.memref_slice %arg7[%dma_wait3A_76] : memref<10240xf32, #tpu.memory_space<vmem_shared>> -> memref<128xf32, #tpu.memory_space<vmem_shared>>
      tpu.wait_dma2 semaphore(%arg8 : memref<!tpu.dma_semaphore, #tpu.memory_space<semaphore_mem>>) src(%arg5 : memref<128xf32, #tpu.memory_space<vmem>>) dst(%dma_wait3A_77 : memref<128xf32, #tpu.memory_space<vmem_shared>>)
    }
    %scan3A_62 = arith.constant 80 : i32
    %barrier3A_63 = arith.constant 0 : index
    tpu.barrier barrier_id(%barrier3A_63)
    %mul3A_64 = arith.constant 640 : i32
    %mul3A_65 = arith.muli %arg1, %mul3A_64 : i32
    %mul3A_66 = arith.constant 10240 : i32
    %mul3A_67 = arith.muli %arg0, %mul3A_66 : i32
    %mul3A_68 = arith.constant 640 : i32
    %mul3A_69 = arith.muli %arg1, %mul3A_68 : i32
    %add3A = arith.addi %mul3A_67, %mul3A_69 : i32
    "tpu.region"() ({
      %run_scoped3A = tpu.sem_alloc : memref<!tpu.dma_semaphore, #tpu.memory_space<semaphore_mem>>
      %dma_start3A = tpu.memref_slice %arg3[%add3A] : memref<20480xf32, #tpu.memory_space<hbm>> -> memref<640xf32, #tpu.memory_space<hbm>>
      %dma_start3A_70 = tpu.memref_slice %arg7[%mul3A_65] : memref<10240xf32, #tpu.memory_space<vmem_shared>> -> memref<640xf32, #tpu.memory_space<vmem_shared>>
      tpu.enqueue_dma source(%dma_start3A_70 : memref<640xf32, #tpu.memory_space<vmem_shared>>) target(%dma_start3A : memref<640xf32, #tpu.memory_space<hbm>>) target_semaphore(%run_scoped3A : memref<!tpu.dma_semaphore, #tpu.memory_space<semaphore_mem>>)
      %dma_wait3A = tpu.memref_slice %arg3[%add3A] : memref<20480xf32, #tpu.memory_space<hbm>> -> memref<640xf32, #tpu.memory_space<hbm>>
      %dma_wait3A_71 = tpu.memref_slice %arg7[%mul3A_65] : memref<10240xf32, #tpu.memory_space<vmem_shared>> -> memref<640xf32, #tpu.memory_space<vmem_shared>>
      tpu.wait_dma2 semaphore(%run_scoped3A : memref<!tpu.dma_semaphore, #tpu.memory_space<semaphore_mem>>) src(%dma_wait3A_71 : memref<640xf32, #tpu.memory_space<vmem_shared>>) dst(%dma_wait3A : memref<640xf32, #tpu.memory_space<hbm>>)
      tpu.yield
    }) : () -> ()
    return
  }
}

module attributes {stable_mosaic.version = 14 : i64} {
  func.func @_mmscale_body(%arg0: i32, %arg1: i32, %arg2: memref<1024x256xf32, #tpu.memory_space<vmem>>, %arg3: memref<256x256xf32, #tpu.memory_space<vmem>>, %arg4: memref<1x256xf32, #tpu.memory_space<vmem>>, %arg5: memref<2x1024x1xf32, #tpu.memory_space<vmem>>, %arg6: memref<1024x128xf32, #tpu.memory_space<vmem>>, %arg7: memref<1024x128xf32, #tpu.memory_space<vmem>>) attributes {dimension_semantics = [#tpu.dimension_semantics<arbitrary>, #tpu.dimension_semantics<arbitrary>], iteration_bounds = array<i64: 10, 2>, scalar_prefetch = 0 : i64, scratch_operands = 1 : i64, tpu.core_type = #tpu.core_type<tc>, window_params = [{transform_indices = @transform_0, window_bounds = array<i64: 1024, 256>}, {pipeline_mode = #tpu.pipeline_mode<synchronous>, transform_indices = @transform_1, window_bounds = array<i64: 256, 256>}, {pipeline_mode = #tpu.pipeline_mode<synchronous>, transform_indices = @transform_2, window_bounds = array<i64: 1, 256>}, {transform_indices = @transform_3, window_bounds = array<i64: 2, 1024, 1>}, {transform_indices = @transform_4, window_bounds = array<i64: 1024, 128>}]} {
    %eq3A = arith.constant 0 : i32
    %eq3A_0 = arith.cmpi eq, %arg1, %eq3A : i32
    %convert_element_type3A = arith.extui %eq3A_0 : i1 to i32
    %cond3A = arith.constant 0 : i32
    %cond3A_1 = arith.cmpi ne, %convert_element_type3A, %cond3A : i32
    scf.if %cond3A_1 {
      %get3A = arith.constant 0 : index
      %get3A_7 = arith.constant 0 : index
      %get3A_8 = vector.load %arg2[%get3A, %get3A_7] : memref<1024x256xf32, #tpu.memory_space<vmem>>, vector<1024x256xf32>
      %get3A_9 = arith.constant 0 : index
      %get3A_10 = arith.constant 0 : index
      %get3A_11 = vector.load %arg3[%get3A_9, %get3A_10] : memref<256x256xf32, #tpu.memory_space<vmem>>, vector<256x256xf32>
      %dot_general3A = arith.constant dense<0.000000e+00> : vector<1024x256xf32>
      %dot_general3A_12 = tpu.matmul %get3A_8, %get3A_11, %dot_general3A {dimension_numbers = #tpu.dot_dimension_numbers<[1], [1], [0], [0], [0, 0, 1, 0], [], []>, transpose_lhs_hint = false} : vector<1024x256xf32>, vector<256x256xf32>, vector<1024x256xf32> -> vector<1024x256xf32>
      %get3A_13 = arith.constant 0 : index
      %get3A_14 = arith.constant 0 : index
      %get3A_15 = vector.load %arg4[%get3A_13, %get3A_14] : memref<1x256xf32, #tpu.memory_space<vmem>>, vector<1x256xf32>
      %add3A = vector.broadcast %get3A_15 : vector<1x256xf32> to vector<1024x256xf32>
      %add3A_16 = arith.addf %dot_general3A_12, %add3A : vector<1024x256xf32>
      %mul3A = arith.mulf %add3A_16, %add3A_16 : vector<1024x256xf32>
      %reduce_sum3A = arith.constant dense<0.000000e+00> : vector<1024xf32>
      %reduce_sum3A_17 = vector.multi_reduction <add>, %mul3A, %reduce_sum3A [1] : vector<1024x256xf32> to vector<1024xf32>
      %broadcast_in_dim3A = vector.shape_cast %reduce_sum3A_17 : vector<1024xf32> to vector<1024x1xf32>
      %sqrt3A = math.sqrt %broadcast_in_dim3A : vector<1024x1xf32>
      %max3A = arith.constant 9.99999996E-13 : f32
      %max3A_18 = vector.broadcast %max3A : f32 to vector<1024x1xf32>
      %max3A_19 = arith.maximumf %sqrt3A, %max3A_18 : vector<1024x1xf32>
      %div3A = vector.broadcast %max3A_19 : vector<1024x1xf32> to vector<1024x256xf32>
      %div3A_20 = arith.divf %add3A_16, %div3A : vector<1024x256xf32>
      %mul3A_21 = arith.constant 1.800000e+00 : f32
      %mul3A_22 = vector.broadcast %mul3A_21 : f32 to vector<1024x256xf32>
      %mul3A_23 = arith.mulf %div3A_20, %mul3A_22 : vector<1024x256xf32>
      %get3A_24 = arith.constant 0 : index
      %get3A_25 = arith.constant 0 : index
      %get3A_26 = arith.constant 0 : index
      %get3A_27 = vector.load %arg5[%get3A_24, %get3A_25, %get3A_26] : memref<2x1024x1xf32, #tpu.memory_space<vmem>>, vector<1x1024x1xf32>
      %get3A_28 = vector.shape_cast %get3A_27 : vector<1x1024x1xf32> to vector<1024x1xf32>
      %get3A_29 = arith.constant 1 : index
      %get3A_30 = arith.constant 0 : index
      %get3A_31 = arith.constant 0 : index
      %get3A_32 = vector.load %arg5[%get3A_29, %get3A_30, %get3A_31] : memref<2x1024x1xf32, #tpu.memory_space<vmem>>, vector<1x1024x1xf32>
      %get3A_33 = vector.shape_cast %get3A_32 : vector<1x1024x1xf32> to vector<1024x1xf32>
      %add3A_34 = arith.addf %get3A_28, %get3A_33 : vector<1024x1xf32>
      %add3A_35 = arith.constant 1.000000e+00 : f32
      %add3A_36 = vector.broadcast %add3A_35 : f32 to vector<1024x1xf32>
      %add3A_37 = arith.addf %add3A_34, %add3A_36 : vector<1024x1xf32>
      %rsqrt3A = math.rsqrt %add3A_37 : vector<1024x1xf32>
      %mul3A_38 = vector.broadcast %rsqrt3A : vector<1024x1xf32> to vector<1024x256xf32>
      %mul3A_39 = arith.mulf %mul3A_23, %mul3A_38 : vector<1024x256xf32>
      %slice3A = vector.extract_strided_slice %mul3A_39 {offsets = [0, 0], sizes = [1024, 128], strides = [1, 1]} : vector<1024x256xf32> to vector<1024x128xf32>
      %swap3A = arith.constant 0 : index
      %swap3A_40 = arith.constant 0 : index
      %swap3A_41 = vector.load %arg6[%swap3A, %swap3A_40] : memref<1024x128xf32, #tpu.memory_space<vmem>>, vector<1024x128xf32>
      tpu.vector_store %arg6[%swap3A, %swap3A_40], %slice3A {strides = array<i32>} : memref<1024x128xf32, #tpu.memory_space<vmem>>, vector<1024x128xf32>,
      %slice3A_42 = vector.extract_strided_slice %mul3A_39 {offsets = [0, 128], sizes = [1024, 128], strides = [1, 1]} : vector<1024x256xf32> to vector<1024x128xf32>
      %swap3A_43 = arith.constant 0 : index
      %swap3A_44 = arith.constant 0 : index
      %swap3A_45 = vector.load %arg7[%swap3A_43, %swap3A_44] : memref<1024x128xf32, #tpu.memory_space<vmem>>, vector<1024x128xf32>
      tpu.vector_store %arg7[%swap3A_43, %swap3A_44], %slice3A_42 {strides = array<i32>} : memref<1024x128xf32, #tpu.memory_space<vmem>>, vector<1024x128xf32>,
    } else {
    }
    %eq3A_2 = arith.constant 1 : i32
    %eq3A_3 = arith.cmpi eq, %arg1, %eq3A_2 : i32
    %convert_element_type3A_4 = arith.extui %eq3A_3 : i1 to i32
    %cond3A_5 = arith.constant 0 : i32
    %cond3A_6 = arith.cmpi ne, %convert_element_type3A_4, %cond3A_5 : i32
    scf.if %cond3A_6 {
      %get3A = arith.constant 0 : index
      %get3A_7 = arith.constant 0 : index
      %get3A_8 = vector.load %arg7[%get3A, %get3A_7] : memref<1024x128xf32, #tpu.memory_space<vmem>>, vector<1024x128xf32>
      %swap3A = arith.constant 0 : index
      %swap3A_9 = arith.constant 0 : index
      %swap3A_10 = vector.load %arg6[%swap3A, %swap3A_9] : memref<1024x128xf32, #tpu.memory_space<vmem>>, vector<1024x128xf32>
      tpu.vector_store %arg6[%swap3A, %swap3A_9], %get3A_8 {strides = array<i32>} : memref<1024x128xf32, #tpu.memory_space<vmem>>, vector<1024x128xf32>,
    } else {
    }
    return
  }
  func.func @transform_0(%arg0: i32, %arg1: i32) -> (i32, i32) {
    %c0_i32 = arith.constant 0 : i32
    %c0_i32_0 = arith.constant 0 : i32
    return %arg0, %c0_i32 : i32, i32
  }
  func.func @transform_1(%arg0: i32, %arg1: i32) -> (i32, i32) {
    %c0_i32 = arith.constant 0 : i32
    %c0_i32_0 = arith.constant 0 : i32
    %c0_i32_1 = arith.constant 0 : i32
    return %c0_i32, %c0_i32_0 : i32, i32
  }
  func.func @transform_2(%arg0: i32, %arg1: i32) -> (i32, i32) {
    %c0_i32 = arith.constant 0 : i32
    %c0_i32_0 = arith.constant 0 : i32
    %c0_i32_1 = arith.constant 0 : i32
    return %c0_i32, %c0_i32_0 : i32, i32
  }
  func.func @transform_3(%arg0: i32, %arg1: i32) -> (i32, i32, i32) {
    %c0_i32 = arith.constant 0 : i32
    %c0_i32_0 = arith.constant 0 : i32
    %c0_i32_1 = arith.constant 0 : i32
    return %c0_i32, %arg0, %c0_i32_0 : i32, i32, i32
  }
  func.func @transform_4(%arg0: i32, %arg1: i32) -> (i32, i32) {
    %mul3A = arith.constant 10 : i32
    %mul3A_0 = arith.muli %mul3A, %arg1 : i32
    %add3A = arith.addi %arg0, %mul3A_0 : i32
    %c0_i32 = arith.constant 0 : i32
    %c0_i32_1 = arith.constant 0 : i32
    return %add3A, %c0_i32 : i32, i32
  }
}

module attributes {stable_mosaic.version = 14 : i64} {
  func.func @_combine_body(%arg0: i32, %arg1: i32, %arg2: memref<1024x128xf32, #tpu.memory_space<vmem>>, %arg3: memref<1024x128xf32, #tpu.memory_space<vmem>>, %arg4: memref<2x1024x1xf32, #tpu.memory_space<vmem>>, %arg5: memref<1024x128xf32, #tpu.memory_space<vmem>>) attributes {dimension_semantics = [#tpu.dimension_semantics<arbitrary>, #tpu.dimension_semantics<arbitrary>], iteration_bounds = array<i64: 10, 2>, scalar_prefetch = 0 : i64, scratch_operands = 0 : i64, tpu.core_type = #tpu.core_type<tc>, window_params = [{transform_indices = @transform_0, window_bounds = array<i64: 1024, 128>}, {transform_indices = @transform_1, window_bounds = array<i64: 1024, 128>}, {transform_indices = @transform_2, window_bounds = array<i64: 2, 1024, 1>}, {transform_indices = @transform_3, window_bounds = array<i64: 1024, 128>}]} {
    %get3A = arith.constant 0 : index
    %get3A_0 = arith.constant 0 : index
    %get3A_1 = arith.constant 0 : index
    %get3A_2 = vector.load %arg4[%get3A, %get3A_0, %get3A_1] : memref<2x1024x1xf32, #tpu.memory_space<vmem>>, vector<1x1024x1xf32>
    %get3A_3 = vector.shape_cast %get3A_2 : vector<1x1024x1xf32> to vector<1024x1xf32>
    %get3A_4 = arith.constant 1 : index
    %get3A_5 = arith.constant 0 : index
    %get3A_6 = arith.constant 0 : index
    %get3A_7 = vector.load %arg4[%get3A_4, %get3A_5, %get3A_6] : memref<2x1024x1xf32, #tpu.memory_space<vmem>>, vector<1x1024x1xf32>
    %get3A_8 = vector.shape_cast %get3A_7 : vector<1x1024x1xf32> to vector<1024x1xf32>
    %add3A = arith.addf %get3A_3, %get3A_8 : vector<1024x1xf32>
    %add3A_9 = arith.constant 1.000000e+00 : f32
    %add3A_10 = vector.broadcast %add3A_9 : f32 to vector<1024x1xf32>
    %add3A_11 = arith.addf %add3A, %add3A_10 : vector<1024x1xf32>
    %rsqrt3A = math.rsqrt %add3A_11 : vector<1024x1xf32>
    %get3A_12 = arith.constant 0 : index
    %get3A_13 = arith.constant 0 : index
    %get3A_14 = vector.load %arg2[%get3A_12, %get3A_13] : memref<1024x128xf32, #tpu.memory_space<vmem>>, vector<1024x128xf32>
    %get3A_15 = arith.constant 0 : index
    %get3A_16 = arith.constant 0 : index
    %get3A_17 = vector.load %arg3[%get3A_15, %get3A_16] : memref<1024x128xf32, #tpu.memory_space<vmem>>, vector<1024x128xf32>
    %add3A_18 = arith.addf %get3A_14, %get3A_17 : vector<1024x128xf32>
    %mul3A = vector.broadcast %rsqrt3A : vector<1024x1xf32> to vector<1024x128xf32>
    %mul3A_19 = arith.mulf %mul3A, %add3A_18 : vector<1024x128xf32>
    %swap3A = arith.constant 0 : index
    %swap3A_20 = arith.constant 0 : index
    %swap3A_21 = vector.load %arg5[%swap3A, %swap3A_20] : memref<1024x128xf32, #tpu.memory_space<vmem>>, vector<1024x128xf32>
    tpu.vector_store %arg5[%swap3A, %swap3A_20], %mul3A_19 {strides = array<i32>} : memref<1024x128xf32, #tpu.memory_space<vmem>>, vector<1024x128xf32>,
    return
  }
  func.func @transform_0(%arg0: i32, %arg1: i32) -> (i32, i32) {
    %mul3A = arith.constant 10 : i32
    %mul3A_0 = arith.muli %mul3A, %arg1 : i32
    %add3A = arith.addi %arg0, %mul3A_0 : i32
    %c0_i32 = arith.constant 0 : i32
    %c0_i32_1 = arith.constant 0 : i32
    return %add3A, %c0_i32 : i32, i32
  }
  func.func @transform_1(%arg0: i32, %arg1: i32) -> (i32, i32) {
    %mul3A = arith.constant 10 : i32
    %mul3A_0 = arith.muli %mul3A, %arg1 : i32
    %add3A = arith.addi %arg0, %mul3A_0 : i32
    %c0_i32 = arith.constant 0 : i32
    %c0_i32_1 = arith.constant 0 : i32
    return %add3A, %c0_i32 : i32, i32
  }
  func.func @transform_2(%arg0: i32, %arg1: i32) -> (i32, i32, i32) {
    %c0_i32 = arith.constant 0 : i32
    %c0_i32_0 = arith.constant 0 : i32
    %c0_i32_1 = arith.constant 0 : i32
    return %c0_i32, %arg0, %c0_i32_0 : i32, i32, i32
  }
  func.func @transform_3(%arg0: i32, %arg1: i32) -> (i32, i32) {
    %c0_i32 = arith.constant 0 : i32
    return %arg0, %arg1 : i32, i32
  }
}

</mosaic_0001>

<sc_bundles>
// kernel: kernel.6.cloned.1.call-start
scs
__scs_entry_jumppad:
0x0: {  	(pc) =	sbr.rel $0x88, $3  }
0x1: {  	(tag) =	ssettag $0x0;
	lr =	simm.s32 $0x1  }
0x2: {  	[smem:$0x3F9D] =	sst lr;
	_ =	strace $0xD0000000  }
0x3: {  	_ = 	snop  }
0x4: {  	_ = 	snop  }
0x5: {  	_ = 	snop  }
0x6: {  	_ = 	snop  }
0x7: {  	_ = 	snop  }
__scs_overlays_trampoline_lowered:
0x8: {  	[smem:$0x3FAC] =	sst s0  }
0x9: {  	[smem:$0x3FAD] =	sst s1  }
0xa: {  	[smem:$0x3FAE] =	sst s2  }
0xb: {  	[smem:$0x3FAF] =	sst s3  }
0xc: {  	[smem:$0x3FB0] =	sst s4  }
0xd: {  	[smem:$0x3FB1] =	sst s5  }
0xe: {  	[smem:$0x3FB2] =	sst s6  }
0xf: {  	[smem:$0x3FB3] =	sst s7  }
0x10: {  	[smem:$0x3FB4] =	sst s8  }
0x11: {  	[smem:$0x3FB5] =	sst s9;
	s0 =	simm.s32 @!p0 $0x0  }
0x12: {  	s1 =	sld [smem:$0x3F9B];
	s0 =	simm.s32 @p0 $0x1  }
0x13: {  	[smem:$0x3FB6] =	sst s0;
	s0 =	simm.s32 @!p1 $0x0  }
0x14: {  	s2 =	sld [smem:$0x3F9A];
	s0 =	simm.s32 @p1 $0x1  }
0x15: {  	[smem:$0x3FB7] =	sst s0;
	s0 =	simm.s32 @!p2 $0x0  }
0x16: {  	s3 =	sld [smem:$0x3FDB];
	s0 =	simm.s32 @p2 $0x1  }
0x17: {  	s4 =	simm.s32 $0x1BF5;
	[smem:$0x3FB9] =	sst s0  }
0x18: {  	s0 =	sld [smem:$0x3F9C];
	_ =	swait.ge [sflag:s4], $0x0  }
0x19: {  	s7 =	sld [smem:$0x3F9D]  }
0x1a: {  	s8 =	sadd.s32 $0xFFFFE003, lr  }
0x1b: {  	s9 =	sadd.s32 $0xFFFFFEF7, lr;
	s5 =	simm.s32 $0xFFFFFFFF;
	p2 =	slt.u32 s8, $0xFFFFF086  }
0x1c: {  	p1 =	slt.u32 s9, $0xF7A;
	s5 =	simm.s32 @!p2 $0x0  }
0x1d: {  	s5 =	simm.s32 @p1 $0x1;
	p0 =	seq.s32 s7, s2  }
0x1e: {  	s7 =	smul.u32 @!p0 $0xF7A, s2;
	p2 =	seq.s32 @!p0 s5, $0x0  }
0x1f: {  	s9 =	smul.u32 $0xF7A, s1;
	s8 =	simm.s32 @!p0 $0x1BF5;
	p2 =	por !p2, p0  }
0x20: {  	[sflag:s8] =	ssyncset.s32 @!p0 $0xFFFFF086;
	s6 =	sadd.s32 @!p0 s3, s7;
	s7 =	simm.s32 @!p0 $0x108  }
0x21: {  	s3 =	sadd.s32 s3, s9;
	s6 =	sadd.s32 @!p0 $0x88, s6;
	s7 =	simm.s32 @p2 $0x1082  }
0x22: {  	[simem:s7], [sflag:s8] =	dma.local @!p0 [hbm:s6], $0xF7A  }
0x23: {  	s9 =	sor.u32 $0xD0000000, s2;
	s6 =	simm.s32 $0x108;
	_ =	swait.ge @!p0 [sflag:s8], $0x0  }
0x24: {  	s3 =	sadd.s32 $0x88, s3;
	s6 =	simm.s32 @!p1 $0x1082;
	[sflag:s4] =	ssyncset.s32 $0xFFFFF086  }
0x25: {  	[simem:s6], [sflag:s4] =	dma.local [hbm:s3], $0xF7A  }
0x26: {  	[smem:$0x3F9D] =	sst s1;
	(tag) =	ssettag s2;
	_ =	strace s9  }
0x27: {  	s1 =	sld [smem:$0x3FAD]  }
0x28: {  	s2 =	sld [smem:$0x3FAE]  }
0x29: {  	s4 =	sld [smem:$0x3FB0]  }
0x2a: {  	p0 =	seq.s32 s5, $0x0;
	s5 =	sld [smem:$0x3FB1]  }
0x2b: {  	s6 =	sld [smem:$0x3FB2]  }
0x2c: {  	s7 =	sld [smem:$0x3FB3]  }
0x2d: {  	s3 =	simm.s32 $0x108;
	s8 =	sld [smem:$0x3FB4]  }
0x2e: {  	s3 =	simm.s32 @!p0 $0x1082;
	s9 =	sld [smem:$0x3FB5]  }
0x2f: {  	lr =	sadd.s32 s0, s3;
	s0 =	sld [smem:$0x3FAC]  }
0x30: {  	s3 =	sld [smem:$0x3FAF]  }
0x31: {  	[smem:$0x3FB8] =	sst s10  }
0x32: {  	s10 =	sld [smem:$0x3FB6];
	_ =	sdelay $0x3  }
0x33: {  	p0 =	seq.s32 s10, $0x1;
	s10 =	sld [smem:$0x3FB8];
	_ =	sdelay $0x3  }
0x34: {  	[smem:$0x3FB8] =	sst s10  }
0x35: {  	s10 =	sld [smem:$0x3FB7];
	_ =	sdelay $0x3  }
0x36: {  	p1 =	seq.s32 s10, $0x1;
	s10 =	sld [smem:$0x3FB8];
	_ =	sdelay $0x3  }
0x37: {  	[smem:$0x3FB8] =	sst s10  }
0x38: {  	s10 =	sld [smem:$0x3FB9]  }
0x39: {  	_ = 	snop;
	(pc) =	sbr.ind lr, $3  }
0x3a: {  	_ = 	snop  }
0x3b: {  	_ = 	snop  }
0x3c: {  	p2 =	seq.s32 s10, $0x1;
	s10 =	sld [smem:$0x3FB8]  }
0x3d: {  	_ =	shalt  }
0x3e: {  	_ =	shalt  }
0x3f: {  	_ =	shalt  }
0x40: {  	_ =	shalt  }
0x41: {  	_ =	shalt  }
0x42: {  	_ =	shalt  }
0x43: {  	_ =	shalt  }
0x44: {  	_ =	shalt  }
0x45: {  	_ =	shalt  }
0x46: {  	_ =	shalt  }
0x47: {  	_ =	shalt  }
0x48: {  	_ =	shalt  }
0x49: {  	_ =	shalt  }
0x4a: {  	_ =	shalt  }
0x4b: {  	_ =	shalt  }
0x4c: {  	_ =	shalt  }
0x4d: {  	_ =	shalt  }
0x4e: {  	_ =	shalt  }
0x4f: {  	_ =	shalt  }
0x50: {  	_ =	shalt  }
0x51: {  	_ =	shalt  }
0x52: {  	_ =	shalt  }
0x53: {  	_ =	shalt  }
0x54: {  	_ =	shalt  }
0x55: {  	_ =	shalt  }
0x56: {  	_ =	shalt  }
0x57: {  	_ =	shalt  }
0x58: {  	_ =	shalt  }
0x59: {  	_ =	shalt  }
0x5a: {  	_ =	shalt  }
0x5b: {  	_ =	shalt  }
0x5c: {  	_ =	shalt  }
0x5d: {  	_ =	shalt  }
0x5e: {  	_ =	shalt  }
0x5f: {  	_ =	shalt  }
0x60: {  	_ =	shalt  }
0x61: {  	_ =	shalt  }
0x62: {  	_ =	shalt  }
0x63: {  	_ =	shalt  }
0x64: {  	_ =	shalt  }
0x65: {  	_ =	shalt  }
0x66: {  	_ =	shalt  }
0x67: {  	_ =	shalt  }
0x68: {  	_ =	shalt  }
0x69: {  	_ =	shalt  }
0x6a: {  	_ =	shalt  }
0x6b: {  	_ =	shalt  }
0x6c: {  	_ =	shalt  }
0x6d: {  	_ =	shalt  }
0x6e: {  	_ =	shalt  }
0x6f: {  	_ =	shalt  }
0x70: {  	_ =	shalt  }
0x71: {  	_ =	shalt  }
0x72: {  	_ =	shalt  }
0x73: {  	_ =	shalt  }
0x74: {  	_ =	shalt  }
0x75: {  	_ =	shalt  }
0x76: {  	_ =	shalt  }
0x77: {  	_ =	shalt  }
0x78: {  	_ =	shalt  }
0x79: {  	_ =	shalt  }
0x7a: {  	_ =	shalt  }
0x7b: {  	_ =	shalt  }
0x7c: {  	_ =	shalt  }
0x7d: {  	_ =	shalt  }
0x7e: {  	_ =	shalt  }
0x7f: {  	_ =	shalt  }
0x80: {  	_ =	shalt  }
0x81: {  	_ =	shalt  }
0x82: {  	_ =	shalt  }
0x83: {  	_ =	shalt  }
0x84: {  	_ =	shalt  }
0x85: {  	_ =	shalt  }
0x86: {  	_ =	shalt  }
0x87: {  	_ =	shalt  }
.Lfunc_end0:
.L_simem_size_0:
called_computation_lowered:
.L_overlay_start_0:
0x88: {  	s2 =	sld [smem:$0x3FD9]  }
0x89: {  	s3 =	sld [smem:$0x3FFE];
	_ =	sdelay $0x1  }
0x8a: {  	s1 =	srdreg.scid  }
0x8b: {  	s0 =	sand.u32 $0x1, s1  }
0x8c: {  	s16 =	sshll.u32 s0, $0xA;
	s2 =	sadd.s32 s3, s2  }
0x8d: {  	s2 =	sadd.s32 s2, s16  }
0x8e: {  	[smem:$0x3FC4] =	sst s2  }
0x8f: {  	_ = 	snop  }
0x90: {  	(tm) =	ssettm $0x1  }
0x91: {  	s17 =	sld [smem:$0x3FFB];
	_ =	sdelay $0x3  }
0x92: {  	_ =	strace s17  }
0x93: {  	s2 =	sld [smem:$0x3FFC];
	_ =	sdelay $0x3  }
0x94: {  	_ =	strace s2  }
0x95: {  	s2 =	sld [smem:$0x3FFD];
	_ =	sdelay $0x3  }
0x96: {  	_ =	strace s2  }
0x97: {  	_ =	strace $0x8FFFFFFF  }
0x98: {  	s18 =	sld [smem:$0x3FDB];
	_ =	sdelay $0x1  }
0x99: {  	s19 =	simm.s32 $_scs_section_size  }
0x9a: {  	s4 =	simm.s32 $_size__tile_overlayer_lowered;
	s5 =	simm.s32 $_tile_overlayer_lowered  }
0x9b: {  	s22 =	simm.s32 $0x1BFF;
	s21 =	sshll.u32 s5, $0x1;
	s2 =	sadd.s32 s19, s18  }
0x9c: {  	s6 =	simm.s32 $0x0;
	s20 =	sshll.u32 s4, $0x1;
	s4 =	sadd.s32 s21, s2  }
0x9d: {  	[timem:s6], [sflag:s22] =	dma.local [hbm:s4], s20  }
0x9e: {  	_ =	swait.ge [sflag:s22], s20  }
0x9f: {  	s3 =	ssub.s32 $0x0, s20;
	[sflag:s22] =	ssyncset.done $0x0  }
0xa0: {  	[sflag:s22] =	ssyncadd.s32 s3;
	_ =	sdelay $0x1  }
0xa1: {  	s23 =	simm.s32 $0x1B8B  }
0xa2: {  	_ =	swait.ge [sflag:s23], $0x1  }
0xa3: {  	[sflag:s23] =	ssyncset.done $0x0  }
0xa4: {  	s25 =	simm.s32 $0x1B8E;
	s24 =	sld [smem:$0x3FFE];
	[sflag:s23] =	ssyncadd.s32 $0xFFFFFFFF  }
0xa5: {  	s26 =	simm.s32 $execute0_lowered;
	[smem:$0x3FD2] =	sst s25  }
0xa6: {  	s4 =	sshll.u32 s26, $0x1;
	_ =	strace $0x80000046;
	[dreg:$0x1] =	wrdreg $0xFFFFFFFF  }
0xa7: {  	s28 =	simm.s32 $_size_execute0_lowered;
	s2 =	sadd.s32 s2, s4;
	[dreg:$0x0] =	wrdreg $0x0  }
0xa8: {  	s4 =	sshll.u32 s28, $0x1;
	[dreg:$0x2] =	wrdreg s2  }
0xa9: {  	[dreg:$0x3] =	wrdreg s4  }
0xaa: {  	[dreg:$0x4] =	wrdreg $0xC0  }
0xab: {  	_ =	task [dreg:s6], $0x5FFFF  }
0xac: {  	[dreg:$0x1] =	wrdreg $0xFFFFFFFF  }
0xad: {  	[dreg:$0x0] =	wrdreg $0x60  }
0xae: {  	[dreg:$0x2] =	wrdreg s24  }
0xaf: {  	[dreg:$0x3] =	wrdreg $0x2B000  }
0xb0: {  	[dreg:$0x4] =	wrdreg $0x9  }
0xb1: {  	_ =	task.clear_ibuf [dreg:s6], $0x5FFFF;
	_ =	strace $0x90000046  }
0xb2: {  	s29 =	simm.s32 $0x9;
	_ =	strace $0x80000048  }
0xb3: {  	_ =	swait.ge [sflag:s29], $0x1  }
0xb4: {  	[sflag:s29] =	ssyncadd.s32 $0xFFFFFFFF  }
0xb5: {  	_ =	strace $0x90000048  }
0xb6: {  	_ =	sfence  }
0xb7: {  	s30 =	sld [smem:$0x0];
	_ =	sdelay $0x2  }
0xb8: {  	s31 =	sshll.u32 s1, $0xD;
	s1 =	sshrl.u32 s1, $0x2  }
0xb9: {  	s3 =	sand.u32 $0x4000, s31;
	s1 =	sadd.s32 s1, s30  }
0xba: {  	s0 =	sor.u32 s3, s0;
	s1 =	sshll.u32 s1, $0x11  }
0xbb: {  	s0 =	sor.u32 s1, s0  }
0xbc: {  	s0 =	sadd.s32 $0x8F2B, s0  }
0xbd: {  	[sflag:s0] =	ssyncadd.remote.s32 $0x1  }
0xbe: {  	_ =	sfence.sel $0xFFFF  }
0xbf: {  	[dreg:$0x0] =	wrdreg $0xFFFFFFFF;
	(pc) =	sbr.abs _section_cstart, $3  }
0xc0: {  	[dreg:$0x1] =	wrdreg $0xFFFFFFFF  }
0xc1: {  	_ =	task.clear_ibuf [dreg:s6], $0x2FFFF;
	_ =	strace $0x9FFFFFFF  }
0xc2: {  	(tm) =	ssettm $0x7FFFFFFF  }
0xc3: {  	_ =	shalt  }
tec
execute0_lowered:
.L_overlay_start_1:
0x0: {  	(tag) =	ssettag $0x1  }
0x1: {  	s4 =	rddreg [dreg:$0x0];
	s1 =	srdreg.scid  }
0x2: {  	s0 =	stileid.u32;
	s2 =	rddreg [dreg:$0x1]  }
0x3: {  	s3 =	simm.s32 $0x0;
	s10 =	simm.s32 $0x80;
	s11 =	simm.s32 $0x2800  }
0x4: {  	s12 =	simm.s32 $0x1;
	s15 =	simm.s32 $0x0;
	s6 =	smul.u32 $0x5000, s0  }
0x5: {  	s5 =	sand.u32 $0x1, s1;
	s1 =	rddreg [dreg:$0x2];
	s8 =	smul.u32 $0x280, s0  }
0x6: {  	[smem:$0x7FF] =	sst s3;
	s13 =	sshll.u32 s0, $0x6;
	s7 =	smul.u32 $0x2800, s5  }
0x7: {  	_ =	strace $0x80000047;
	s5 =	ssub.s32 $0x2, s5;
	s13 =	sor.u32 $0x1C02, s13  }
0x8: {  	s9 =	sshrl.u32 s5, $0x1;
	s6 =	sadd.s32 s7, s6;
	s7 =	sadd.s32 s8, s7  }
0x9: {  	s9 =	ssub.s32 s5, s9;
	s5 =	sadd.s32 s8, s2;
	s6 =	sshrl.u32 s6, $0x3  }
0xa: {  	s8 =	simm.s32 $0x2;
	s7 =	sshrl.u32 s7, $0x3;
	s6 =	sadd.s32 s6, s4  }
0xb: {  	s14 =	sshrl.u32 s5, $0x3;
	s7 =	sadd.s32 s7, s4;
	s4 =	sadd.s32 $0x1A00, s6  }
0xc: {  	v0 =	vimm.f32 $1.000000000e+00;
	v1 =	vimm.f32 $0.0e+00;
	s6 =	sadd.s32 $0xBA00, s7;
	s7 =	smax.u32 s9, $0x1;
	s9 =	simm.s32 $0x2880  }
.LBB2_1:
0xd: {  	[tilespmem:s3], [sflag:$0x2] =	stream.linear.gather [hbm4b:s4+s3], $0x2800, $0x38;
	[tilespmem:$0x2D80] =	vst v63  }
0xe: {  	_ =	swait.ge [sflag:s8], $0x2800  }
0xf: {  	[sflag:s8] =	ssyncset.done $0x0  }
0x10: {  	[sflag:s8] =	ssyncadd.s32 $0xFFFFD800  }
0x11: {  	[tilespmem:$0x2800] =	vst v0  }
0x12: {  	[tilespmem:$0x2810] =	vst v0  }
0x13: {  	[tilespmem:$0x2820] =	vst v0  }
0x14: {  	[tilespmem:$0x2830] =	vst v0  }
0x15: {  	[tilespmem:$0x2840] =	vst v0  }
0x16: {  	[tilespmem:$0x2850] =	vst v0  }
0x17: {  	[tilespmem:$0x2860] =	vst v0  }
0x18: {  	[tilespmem:$0x2870] =	vst v0  }
0x19: {  	[tilespmem:$0x2880] =	vst v1  }
0x1a: {  	[tilespmem:$0x2890] =	vst v1  }
0x1b: {  	[tilespmem:$0x28A0] =	vst v1  }
0x1c: {  	[tilespmem:$0x28B0] =	vst v1  }
0x1d: {  	[tilespmem:$0x28C0] =	vst v1  }
0x1e: {  	[tilespmem:$0x28D0] =	vst v1  }
0x1f: {  	[tilespmem:$0x28E0] =	vst v1  }
0x20: {  	[tilespmem:$0x28F0] =	vst v1  }
0x21: {  	[tilespmem:$0x2900] =	vst v1  }
0x22: {  	[tilespmem:$0x2910] =	vst v1  }
0x23: {  	[tilespmem:$0x2920] =	vst v1  }
0x24: {  	[tilespmem:$0x2930] =	vst v1  }
0x25: {  	[tilespmem:$0x2940] =	vst v1  }
0x26: {  	[tilespmem:$0x2950] =	vst v1  }
0x27: {  	[tilespmem:$0x2960] =	vst v1  }
0x28: {  	[tilespmem:$0x2970] =	vst v1  }
0x29: {  	[tilespmem:$0x2980] =	vst v1  }
0x2a: {  	[tilespmem:$0x2990] =	vst v1  }
0x2b: {  	[tilespmem:$0x29A0] =	vst v1  }
0x2c: {  	[tilespmem:$0x29B0] =	vst v1  }
0x2d: {  	[tilespmem:$0x29C0] =	vst v1  }
0x2e: {  	[tilespmem:$0x29D0] =	vst v1  }
0x2f: {  	[tilespmem:$0x29E0] =	vst v1  }
0x30: {  	[tilespmem:$0x29F0] =	vst v1  }
0x31: {  	[tilespmem:$0x2A00] =	vst v1  }
0x32: {  	[tilespmem:$0x2A10] =	vst v1  }
0x33: {  	[tilespmem:$0x2A20] =	vst v1  }
0x34: {  	[tilespmem:$0x2A30] =	vst v1  }
0x35: {  	[tilespmem:$0x2A40] =	vst v1  }
0x36: {  	[tilespmem:$0x2A50] =	vst v1  }
0x37: {  	[tilespmem:$0x2A60] =	vst v1  }
0x38: {  	[tilespmem:$0x2A70] =	vst v1  }
0x39: {  	[tilespmem:$0x2A80] =	vst v1  }
0x3a: {  	[tilespmem:$0x2A90] =	vst v1  }
0x3b: {  	[tilespmem:$0x2AA0] =	vst v1  }
0x3c: {  	[tilespmem:$0x2AB0] =	vst v1  }
0x3d: {  	[tilespmem:$0x2AC0] =	vst v1  }
0x3e: {  	[tilespmem:$0x2AD0] =	vst v1  }
0x3f: {  	[tilespmem:$0x2AE0] =	vst v1  }
0x40: {  	[tilespmem:$0x2AF0] =	vst v1  }
0x41: {  	[spmem:s5] =	stream.linear.scatter [tilespmem:s9], [sflag:$0x2], $0x280, $0x38;
	[tilespmem:$0x2D80] =	vst v63  }
0x42: {  	_ =	swait.ge [sflag:s8], $0x280  }
0x43: {  	[sflag:s8] =	ssyncset.done $0x0  }
0x44: {  	[sflag:s8] =	ssyncadd.s32 $0xFFFFFD80  }
0x45: {  	s16 =	simm.s32 $0x0;
	[bflag:$0x0] =	sbarrier.arrive $0xFFFF  }
.LBB2_2:
0x46: {  	p0 =	sne.s32 s16, $0x9E00  }
.Ltmp0:
0x47: {  	_ = 	snop;
	(pc) =	sbr.rel @p0 .LBB2_2-.Ltmp0, $3  }
0x48: {  	_ =	sdelay $0x1  }
0x49: {  	s17 =	sshra.s32 s16, $0x2;
	s16 =	sadd.s32 $0x200, s16  }
0x4a: {  	[spmem:s2] =	stream.indirect.scatter.add.f32 [tilespmem:s11], [sflag:$0x1], $0x1, s17, s10, $0xb8;
	[tilespmem:$0x2D80] =	vst v63  }
0x4b: {  	_ =	swait.ge [sflag:s12], $0x80  }
0x4c: {  	s16 =	simm.s32 $0x4F;
	[sflag:s12] =	ssyncset.done $0x0  }
.LBB2_4:
0x4d: {  	p0 =	sne.s32 s16, $0x1;
	s16 =	sadd.s32 $0xFFFFFFFF, s16;
	[sflag:s12] =	ssyncadd.s32 $0xFFFFFF80  }
.Ltmp1:
0x4e: {  	(pc) =	sbr.rel @p0 .LBB2_4-.Ltmp1, $3  }
0x4f: {  	_ =	sdelay $0x1  }
0x50: {  	_ =	swait.ge [sflag:s12], $0x80  }
0x51: {  	[sflag:s12] =	ssyncset.done $0x0  }
0x52: {  	s15 =	sadd.s32 $0x1, s15  }
0x53: {  	[sflag:s12] =	ssyncadd.s32 $0xFFFFFF80;
	p0 =	sne.s32 s15, s7  }
.Ltmp2:
0x54: {  	[bflag:$0x0] =	sbarrier.arrive $0xFFFF;
	(pc) =	sbr.rel @p0 .LBB2_1-.Ltmp2, $4  }
0x55: {  	[hbm:s6], [sflag:s13] =	dma.local [spmem:s14], $0x50  }
0x56: {  	_ =	swait.ge [sflag:s8], $0x50  }
0x57: {  	[sflag:s8] =	ssyncset.done $0x0  }
0x58: {  	[sflag:s8] =	ssyncadd.s32 $0xFFFFFFB0  }
0x59: {  	_ =	sfence.sel $0x180000  }
0x5a: {  	[bflag:$0x0] =	sbarrier.arrive $0xFFFF  }
0x5b: {  	p0 =	sne.s32 s0, $0x0;
	_ =	strace $0x90000047  }
0x5c: {  	s0 =	sadd.s32 @!p0 $0x100000, s1;
	[bflag:$0x2] =	sbarrier.arrive $0xFFFF  }
0x5d: {  	[sflag:s0] =	ssyncadd.tile.s32 @!p0 $0x1;
	_ =	shalt  }
.Lfunc_end2:
_tile_overlayer_lowered:
.L_overlay_start_2:
0x5e: {  	(tag) =	ssettag $0x2  }
0x5f: {  	s0 =	rddreg [dreg:$0x0];
	s2 =	stileid.u32  }
0x60: {  	s1 =	rddreg [dreg:$0x1];
	p0 =	sne.s32 s2, $0x0  }
0x61: {  	s3 =	rddreg [dreg:$0x2];
	[bflag:$0x3] =	sbarrier.arrive $0xFFFF;
	s2 =	simm.s32 @!p0 $0x1C02  }
0x62: {  	[timem:s3], [sflag:s2] =	dma.local @!p0 [hbm:s0], s1  }
0x63: {  	s0 =	simm.s32 @!p0 $0x2  }
0x64: {  	_ =	swait.ge @!p0 [sflag:s0], s1  }
0x65: {  	s1 =	ssub.s32 @!p0 $0x0, s1;
	[sflag:s0] =	ssyncset.done @!p0 $0x0  }
0x66: {  	[sflag:s0] =	ssyncadd.s32 @!p0 s1  }
0x67: {  	[bflag:$0x3] =	sbarrier.arrive $0xFFFF  }
0x68: {  	_ =	shalt  }

// kernel: kernel.9.cloned.1.call-start
scs
__scs_entry_jumppad:
0x0: {  	(pc) =	sbr.rel $0x88, $3  }
0x1: {  	(tag) =	ssettag $0x0;
	lr =	simm.s32 $0x1  }
0x2: {  	[smem:$0x3F9D] =	sst lr;
	_ =	strace $0xD0000000  }
0x3: {  	_ = 	snop  }
0x4: {  	_ = 	snop  }
0x5: {  	_ = 	snop  }
0x6: {  	_ = 	snop  }
0x7: {  	_ = 	snop  }
__scs_overlays_trampoline_lowered:
0x8: {  	[smem:$0x3FAC] =	sst s0  }
0x9: {  	[smem:$0x3FAD] =	sst s1  }
0xa: {  	[smem:$0x3FAE] =	sst s2  }
0xb: {  	[smem:$0x3FAF] =	sst s3  }
0xc: {  	[smem:$0x3FB0] =	sst s4  }
0xd: {  	[smem:$0x3FB1] =	sst s5  }
0xe: {  	[smem:$0x3FB2] =	sst s6  }
0xf: {  	[smem:$0x3FB3] =	sst s7  }
0x10: {  	[smem:$0x3FB4] =	sst s8  }
0x11: {  	[smem:$0x3FB5] =	sst s9;
	s0 =	simm.s32 @!p0 $0x0  }
0x12: {  	s1 =	sld [smem:$0x3F9B];
	s0 =	simm.s32 @p0 $0x1  }
0x13: {  	[smem:$0x3FB6] =	sst s0;
	s0 =	simm.s32 @!p1 $0x0  }
0x14: {  	s2 =	sld [smem:$0x3F9A];
	s0 =	simm.s32 @p1 $0x1  }
0x15: {  	[smem:$0x3FB7] =	sst s0;
	s0 =	simm.s32 @!p2 $0x0  }
0x16: {  	s3 =	sld [smem:$0x3FDB];
	s0 =	simm.s32 @p2 $0x1  }
0x17: {  	s4 =	simm.s32 $0x1BF5;
	[smem:$0x3FB9] =	sst s0  }
0x18: {  	s0 =	sld [smem:$0x3F9C];
	_ =	swait.ge [sflag:s4], $0x0  }
0x19: {  	s7 =	sld [smem:$0x3F9D]  }
0x1a: {  	s8 =	sadd.s32 $0xFFFFE003, lr  }
0x1b: {  	s9 =	sadd.s32 $0xFFFFFEF7, lr;
	s5 =	simm.s32 $0xFFFFFFFF;
	p2 =	slt.u32 s8, $0xFFFFF086  }
0x1c: {  	p1 =	slt.u32 s9, $0xF7A;
	s5 =	simm.s32 @!p2 $0x0  }
0x1d: {  	s5 =	simm.s32 @p1 $0x1;
	p0 =	seq.s32 s7, s2  }
0x1e: {  	s7 =	smul.u32 @!p0 $0xF7A, s2;
	p2 =	seq.s32 @!p0 s5, $0x0  }
0x1f: {  	s9 =	smul.u32 $0xF7A, s1;
	s8 =	simm.s32 @!p0 $0x1BF5;
	p2 =	por !p2, p0  }
0x20: {  	[sflag:s8] =	ssyncset.s32 @!p0 $0xFFFFF086;
	s6 =	sadd.s32 @!p0 s3, s7;
	s7 =	simm.s32 @!p0 $0x108  }
0x21: {  	s3 =	sadd.s32 s3, s9;
	s6 =	sadd.s32 @!p0 $0x88, s6;
	s7 =	simm.s32 @p2 $0x1082  }
0x22: {  	[simem:s7], [sflag:s8] =	dma.local @!p0 [hbm:s6], $0xF7A  }
0x23: {  	s9 =	sor.u32 $0xD0000000, s2;
	s6 =	simm.s32 $0x108;
	_ =	swait.ge @!p0 [sflag:s8], $0x0  }
0x24: {  	s3 =	sadd.s32 $0x88, s3;
	s6 =	simm.s32 @!p1 $0x1082;
	[sflag:s4] =	ssyncset.s32 $0xFFFFF086  }
0x25: {  	[simem:s6], [sflag:s4] =	dma.local [hbm:s3], $0xF7A  }
0x26: {  	[smem:$0x3F9D] =	sst s1;
	(tag) =	ssettag s2;
	_ =	strace s9  }
0x27: {  	s1 =	sld [smem:$0x3FAD]  }
0x28: {  	s2 =	sld [smem:$0x3FAE]  }
0x29: {  	s4 =	sld [smem:$0x3FB0]  }
0x2a: {  	p0 =	seq.s32 s5, $0x0;
	s5 =	sld [smem:$0x3FB1]  }
0x2b: {  	s6 =	sld [smem:$0x3FB2]  }
0x2c: {  	s7 =	sld [smem:$0x3FB3]  }
0x2d: {  	s3 =	simm.s32 $0x108;
	s8 =	sld [smem:$0x3FB4]  }
0x2e: {  	s3 =	simm.s32 @!p0 $0x1082;
	s9 =	sld [smem:$0x3FB5]  }
0x2f: {  	lr =	sadd.s32 s0, s3;
	s0 =	sld [smem:$0x3FAC]  }
0x30: {  	s3 =	sld [smem:$0x3FAF]  }
0x31: {  	[smem:$0x3FB8] =	sst s10  }
0x32: {  	s10 =	sld [smem:$0x3FB6];
	_ =	sdelay $0x3  }
0x33: {  	p0 =	seq.s32 s10, $0x1;
	s10 =	sld [smem:$0x3FB8];
	_ =	sdelay $0x3  }
0x34: {  	[smem:$0x3FB8] =	sst s10  }
0x35: {  	s10 =	sld [smem:$0x3FB7];
	_ =	sdelay $0x3  }
0x36: {  	p1 =	seq.s32 s10, $0x1;
	s10 =	sld [smem:$0x3FB8];
	_ =	sdelay $0x3  }
0x37: {  	[smem:$0x3FB8] =	sst s10  }
0x38: {  	s10 =	sld [smem:$0x3FB9]  }
0x39: {  	_ = 	snop;
	(pc) =	sbr.ind lr, $3  }
0x3a: {  	_ = 	snop  }
0x3b: {  	_ = 	snop  }
0x3c: {  	p2 =	seq.s32 s10, $0x1;
	s10 =	sld [smem:$0x3FB8]  }
0x3d: {  	_ =	shalt  }
0x3e: {  	_ =	shalt  }
0x3f: {  	_ =	shalt  }
0x40: {  	_ =	shalt  }
0x41: {  	_ =	shalt  }
0x42: {  	_ =	shalt  }
0x43: {  	_ =	shalt  }
0x44: {  	_ =	shalt  }
0x45: {  	_ =	shalt  }
0x46: {  	_ =	shalt  }
0x47: {  	_ =	shalt  }
0x48: {  	_ =	shalt  }
0x49: {  	_ =	shalt  }
0x4a: {  	_ =	shalt  }
0x4b: {  	_ =	shalt  }
0x4c: {  	_ =	shalt  }
0x4d: {  	_ =	shalt  }
0x4e: {  	_ =	shalt  }
0x4f: {  	_ =	shalt  }
0x50: {  	_ =	shalt  }
0x51: {  	_ =	shalt  }
0x52: {  	_ =	shalt  }
0x53: {  	_ =	shalt  }
0x54: {  	_ =	shalt  }
0x55: {  	_ =	shalt  }
0x56: {  	_ =	shalt  }
0x57: {  	_ =	shalt  }
0x58: {  	_ =	shalt  }
0x59: {  	_ =	shalt  }
0x5a: {  	_ =	shalt  }
0x5b: {  	_ =	shalt  }
0x5c: {  	_ =	shalt  }
0x5d: {  	_ =	shalt  }
0x5e: {  	_ =	shalt  }
0x5f: {  	_ =	shalt  }
0x60: {  	_ =	shalt  }
0x61: {  	_ =	shalt  }
0x62: {  	_ =	shalt  }
0x63: {  	_ =	shalt  }
0x64: {  	_ =	shalt  }
0x65: {  	_ =	shalt  }
0x66: {  	_ =	shalt  }
0x67: {  	_ =	shalt  }
0x68: {  	_ =	shalt  }
0x69: {  	_ =	shalt  }
0x6a: {  	_ =	shalt  }
0x6b: {  	_ =	shalt  }
0x6c: {  	_ =	shalt  }
0x6d: {  	_ =	shalt  }
0x6e: {  	_ =	shalt  }
0x6f: {  	_ =	shalt  }
0x70: {  	_ =	shalt  }
0x71: {  	_ =	shalt  }
0x72: {  	_ =	shalt  }
0x73: {  	_ =	shalt  }
0x74: {  	_ =	shalt  }
0x75: {  	_ =	shalt  }
0x76: {  	_ =	shalt  }
0x77: {  	_ =	shalt  }
0x78: {  	_ =	shalt  }
0x79: {  	_ =	shalt  }
0x7a: {  	_ =	shalt  }
0x7b: {  	_ =	shalt  }
0x7c: {  	_ =	shalt  }
0x7d: {  	_ =	shalt  }
0x7e: {  	_ =	shalt  }
0x7f: {  	_ =	shalt  }
0x80: {  	_ =	shalt  }
0x81: {  	_ =	shalt  }
0x82: {  	_ =	shalt  }
0x83: {  	_ =	shalt  }
0x84: {  	_ =	shalt  }
0x85: {  	_ =	shalt  }
0x86: {  	_ =	shalt  }
0x87: {  	_ =	shalt  }
.Lfunc_end0:
.L_simem_size_0:
called_computation.1_lowered:
.L_overlay_start_0:
0x88: {  	s2 =	sld [smem:$0x3FD9]  }
0x89: {  	s3 =	sld [smem:$0x3FFE];
	_ =	sdelay $0x1  }
0x8a: {  	s1 =	srdreg.scid  }
0x8b: {  	s0 =	sand.u32 $0x1, s1  }
0x8c: {  	s17 =	sshll.u32 s0, $0xA;
	s2 =	sadd.s32 s3, s2  }
0x8d: {  	s2 =	sadd.s32 s2, s17  }
0x8e: {  	[smem:$0x3FC4] =	sst s2  }
0x8f: {  	_ = 	snop  }
0x90: {  	s2 =	sld [smem:$0x3FD0];
	(tm) =	ssettm $0x1  }
0x91: {  	s18 =	sld [smem:$0x3FFB];
	_ =	sdelay $0x3  }
0x92: {  	_ =	strace s18  }
0x93: {  	s3 =	sld [smem:$0x3FFC];
	_ =	sdelay $0x3  }
0x94: {  	_ =	strace s3  }
0x95: {  	s3 =	sld [smem:$0x3FFD];
	_ =	sdelay $0x3  }
0x96: {  	_ =	strace s3  }
0x97: {  	_ =	strace $0x8FFFFFFF  }
0x98: {  	s19 =	sld [smem:$0x3FDB];
	_ =	sdelay $0x1  }
0x99: {  	s4 =	simm.s32 $_scs_section_size  }
0x9a: {  	s5 =	simm.s32 $_size__tile_overlayer_lowered;
	s6 =	simm.s32 $_tile_overlayer_lowered  }
0x9b: {  	s22 =	simm.s32 $0x1BFF;
	s21 =	sshll.u32 s6, $0x1;
	s3 =	sadd.s32 s4, s19  }
0x9c: {  	s7 =	simm.s32 $0x0;
	s20 =	sshll.u32 s5, $0x1;
	s5 =	sadd.s32 s21, s3  }
0x9d: {  	[timem:s7], [sflag:s22] =	dma.local [hbm:s5], s20  }
0x9e: {  	_ =	swait.ge [sflag:s22], s20  }
0x9f: {  	s4 =	ssub.s32 $0x0, s20;
	[sflag:s22] =	ssyncset.done $0x0  }
0xa0: {  	[sflag:s22] =	ssyncadd.s32 s4;
	_ =	sdelay $0x1  }
0xa1: {  	s23 =	simm.s32 $0x1B8B  }
0xa2: {  	_ =	swait.ge [sflag:s23], $0x1  }
0xa3: {  	[sflag:s23] =	ssyncset.done $0x0  }
0xa4: {  	s25 =	simm.s32 $0x1B8E;
	s24 =	sld [smem:$0x3FFE];
	[sflag:s23] =	ssyncadd.s32 $0xFFFFFFFF  }
0xa5: {  	s26 =	simm.s32 $execute0_lowered;
	[smem:$0x3FD2] =	sst s25  }
0xa6: {  	s5 =	sshll.u32 s26, $0x1;
	_ =	strace $0x80000049;
	[dreg:$0x1] =	wrdreg $0xFFFFFFFF  }
0xa7: {  	s28 =	simm.s32 $_size_execute0_lowered;
	s3 =	sadd.s32 s3, s5;
	[dreg:$0x0] =	wrdreg $0x0  }
0xa8: {  	s5 =	sshll.u32 s28, $0x1;
	[dreg:$0x2] =	wrdreg s3  }
0xa9: {  	[dreg:$0x3] =	wrdreg s5  }
0xaa: {  	[dreg:$0x4] =	wrdreg $0xC0  }
0xab: {  	_ =	task [dreg:s7], $0x5FFFF  }
0xac: {  	[dreg:$0x1] =	wrdreg $0xFFFFFFFF  }
0xad: {  	[dreg:$0x0] =	wrdreg $0x60  }
0xae: {  	[dreg:$0x2] =	wrdreg s24  }
0xaf: {  	[dreg:$0x3] =	wrdreg s2  }
0xb0: {  	[dreg:$0x4] =	wrdreg $0xC0000  }
0xb1: {  	[dreg:$0x5] =	wrdreg $0x9  }
0xb2: {  	_ =	task.clear_ibuf [dreg:s7], $0x6FFFF;
	_ =	strace $0x90000049  }
0xb3: {  	s29 =	simm.s32 $0x9;
	_ =	strace $0x8000004B  }
0xb4: {  	_ =	swait.ge [sflag:s29], $0x1  }
0xb5: {  	[sflag:s29] =	ssyncadd.s32 $0xFFFFFFFF  }
0xb6: {  	_ =	strace $0x9000004B  }
0xb7: {  	_ =	sfence  }
0xb8: {  	s30 =	sld [smem:$0x0];
	_ =	sdelay $0x2  }
0xb9: {  	s31 =	sshll.u32 s1, $0xD;
	s1 =	sshrl.u32 s1, $0x2  }
0xba: {  	s3 =	sand.u32 $0x4000, s31;
	s1 =	sadd.s32 s1, s30  }
0xbb: {  	s0 =	sor.u32 s3, s0;
	s1 =	sshll.u32 s1, $0x11  }
0xbc: {  	s0 =	sor.u32 s1, s0  }
0xbd: {  	s0 =	sadd.s32 $0x8F2B, s0  }
0xbe: {  	[sflag:s0] =	ssyncadd.remote.s32 $0x1  }
0xbf: {  	_ =	sfence.sel $0xFFFF  }
0xc0: {  	[dreg:$0x0] =	wrdreg $0xFFFFFFFF;
	(pc) =	sbr.abs _section_cstart, $3  }
0xc1: {  	[dreg:$0x1] =	wrdreg $0xFFFFFFFF  }
0xc2: {  	_ =	task.clear_ibuf [dreg:s7], $0x2FFFF;
	_ =	strace $0x9FFFFFFF  }
0xc3: {  	(tm) =	ssettm $0x7FFFFFFF  }
tec
execute0_lowered:
.L_overlay_start_1:
0x0: {  	(tag) =	ssettag $0x1  }
0x1: {  	s0 =	rddreg [dreg:$0x0]  }
0x2: {  	s1 =	rddreg [dreg:$0x1]  }
0x3: {  	s2 =	rddreg [dreg:$0x2]  }
0x4: {  	s3 =	srdreg.scid;
	s4 =	simm.s32 $0x0;
	s11 =	stileid.u32  }
0x5: {  	s28 =	simm.s32 $0x1;
	s29 =	simm.s32 $0x9800;
	s30 =	simm.s32 $0x2  }
0x6: {  	s31 =	simm.s32 $0x3;
	s12 =	simm.s32 $0x1F00;
	s13 =	simm.s32 $0x1F80  }
0x7: {  	s3 =	sand.u32 $0x1, s3;
	[smem:$0x7FF] =	sst s4;
	s7 =	smul.u32 $0x2800, s11  }
0x8: {  	s5 =	sadd.s32 $0x6C400, s0;
	s9 =	smul.u32 $0x50000, s11;
	s8 =	ssub.s32 $0x2, s3  }
0x9: {  	s6 =	smul.u32 $0x28000, s3;
	_ =	strace $0x8000004A;
	s10 =	sshrl.u32 s8, $0x1  }
0xa: {  	s3 =	sshll.u32 s3, $0x13;
	s9 =	sshrl.u32 s9, $0x2;
	s10 =	ssub.s32 s8, s10  }
0xb: {  	s7 =	sadd.s32 s7, s6;
	s9 =	sadd.s32 s9, s2;
	s19 =	smax.u32 s10, $0x1  }
0xc: {  	s6 =	sadd.s32 $0xC400, s0;
	s20 =	sadd.s32 $0x2800, s9;
	[dreg:$0x5] =	wrdreg s19  }
0xd: {  	s0 =	sadd.s32 s7, s0;
	s21 =	sadd.s32 $0x5000, s9;
	[dreg:$0x6] =	wrdreg s20  }
0xe: {  	s7 =	sshll.u32 s11, $0xF;
	s22 =	sadd.s32 $0x7800, s9;
	[dreg:$0x7] =	wrdreg s21  }
0xf: {  	s23 =	sadd.s32 $0xA000, s9;
	s24 =	sadd.s32 $0xC800, s9;
	[dreg:$0x8] =	wrdreg s22  }
0x10: {  	s25 =	sadd.s32 $0xF000, s9;
	s26 =	sadd.s32 $0x11800, s9;
	[dreg:$0x9] =	wrdreg s23  }
0x11: {  	s10 =	simm.s32 $0x1E00;
	s11 =	simm.s32 $0x1E80;
	[dreg:$0xa] =	wrdreg s24  }
0x12: {  	s8 =	sor.u32 s7, s3;
	s0 =	sadd.s32 $0xBC400, s0;
	[dreg:$0xb] =	wrdreg s25  }
0x13: {  	[dreg:$0xc] =	wrdreg s26;
	s19 =	simm.s32 $0x2000;
	s20 =	simm.s32 $0x5  }
0x14: {  	s21 =	simm.s32 $0x1000;
	s22 =	simm.s32 $0x50;
	s23 =	simm.s32 $0x80  }
0x15: {  	s24 =	simm.s32 $0x4800;
	s25 =	simm.s32 $0x100;
	s26 =	simm.s32 $0x7000  }
0x16: {  	v0 =	vimm.f32 $0.0e+00;
	s3 =	simm.s32 $0xF80;
	[dreg:$0x4] =	wrdreg s0;
	s0 =	simm.s32 $0x4  }
.LBB2_1:
0x17: {  	s14 =	simm.s32 $0x0;
	s15 =	simm.s32 $0x200  }
.LBB2_2:
0x18: {  	p0 =	sne.s32 s15, $0x9E00;
	[tilespmem:s14+$0x2070] =	vst v0  }
0x19: {  	[tilespmem:s14+$0x2000] =	vst v0  }
0x1a: {  	[tilespmem:s14+$0x2010] =	vst v0  }
.Ltmp0:
0x1b: {  	[tilespmem:s14+$0x2020] =	vst v0;
	(pc) =	sbr.rel @p0 .LBB2_2-.Ltmp0, $4  }
0x1c: {  	[tilespmem:s14+$0x2030] =	vst v0  }
0x1d: {  	[tilespmem:s14+$0x2040] =	vst v0  }
0x1e: {  	[tilespmem:s14+$0x2050] =	vst v0  }
0x1f: {  	[tilespmem:s14+$0x2060] =	vst v0;
	s14 =	sshra.s32 s15, $0x2;
	s15 =	sadd.s32 $0x200, s15  }
0x20: {  	[tilespmem:s14+$0x2070] =	vst v0  }
0x21: {  	[tilespmem:s14+$0x2000] =	vst v0  }
0x22: {  	[tilespmem:s14+$0x2010] =	vst v0  }
0x23: {  	[tilespmem:s14+$0x2020] =	vst v0  }
0x24: {  	[tilespmem:s14+$0x2030] =	vst v0  }
0x25: {  	[tilespmem:s14+$0x2040] =	vst v0  }
0x26: {  	[tilespmem:s14+$0x2050] =	vst v0  }
0x27: {  	[tilespmem:s14+$0x2060] =	vst v0  }
0x28: {  	[spmem:s9] =	stream.linear.scatter [tilespmem:s19], [sflag:$0x5], $0x2800, $0x38;
	v63 =	vld [tilespmem:$0x0]  }
0x29: {  	_ =	swait.ge [sflag:s20], $0x2800  }
0x2a: {  	[sflag:s20] =	ssyncset.done $0x0  }
0x2b: {  	s16 =	rddreg [dreg:$0x6];
	[sflag:s20] =	ssyncadd.s32 $0xFFFFD800  }
0x2c: {  	[spmem:s16] =	stream.linear.scatter [tilespmem:s19], [sflag:$0x5], $0x2800, $0x38;
	v63 =	vld [tilespmem:$0x0]  }
0x2d: {  	_ =	swait.ge [sflag:s20], $0x2800  }
0x2e: {  	[sflag:s20] =	ssyncset.done $0x0  }
0x2f: {  	s17 =	rddreg [dreg:$0x7];
	[sflag:s20] =	ssyncadd.s32 $0xFFFFD800  }
0x30: {  	[spmem:s17] =	stream.linear.scatter [tilespmem:s19], [sflag:$0x5], $0x2800, $0x38;
	v63 =	vld [tilespmem:$0x0]  }
0x31: {  	_ =	swait.ge [sflag:s20], $0x2800  }
0x32: {  	[sflag:s20] =	ssyncset.done $0x0  }
0x33: {  	s18 =	rddreg [dreg:$0x8];
	[sflag:s20] =	ssyncadd.s32 $0xFFFFD800  }
0x34: {  	[spmem:s18] =	stream.linear.scatter [tilespmem:s19], [sflag:$0x5], $0x2800, $0x38;
	v63 =	vld [tilespmem:$0x0]  }
0x35: {  	_ =	swait.ge [sflag:s20], $0x2800  }
0x36: {  	[sflag:s20] =	ssyncset.done $0x0  }
0x37: {  	s15 =	rddreg [dreg:$0x9];
	[sflag:s20] =	ssyncadd.s32 $0xFFFFD800  }
0x38: {  	[spmem:s15] =	stream.linear.scatter [tilespmem:s19], [sflag:$0x5], $0x2800, $0x38;
	v63 =	vld [tilespmem:$0x0]  }
0x39: {  	_ =	swait.ge [sflag:s20], $0x2800  }
0x3a: {  	[sflag:s20] =	ssyncset.done $0x0  }
0x3b: {  	s16 =	rddreg [dreg:$0xa];
	[sflag:s20] =	ssyncadd.s32 $0xFFFFD800  }
0x3c: {  	[spmem:s16] =	stream.linear.scatter [tilespmem:s19], [sflag:$0x5], $0x2800, $0x38;
	v63 =	vld [tilespmem:$0x0]  }
0x3d: {  	_ =	swait.ge [sflag:s20], $0x2800  }
0x3e: {  	[sflag:s20] =	ssyncset.done $0x0  }
0x3f: {  	s17 =	rddreg [dreg:$0xb];
	[sflag:s20] =	ssyncadd.s32 $0xFFFFD800  }
0x40: {  	[spmem:s17] =	stream.linear.scatter [tilespmem:s19], [sflag:$0x5], $0x2800, $0x38;
	v63 =	vld [tilespmem:$0x0]  }
0x41: {  	_ =	swait.ge [sflag:s20], $0x2800  }
0x42: {  	[sflag:s20] =	ssyncset.done $0x0  }
0x43: {  	s18 =	rddreg [dreg:$0xc];
	[sflag:s20] =	ssyncadd.s32 $0xFFFFD800  }
0x44: {  	[spmem:s18] =	stream.linear.scatter [tilespmem:s19], [sflag:$0x5], $0x2800, $0x38;
	v63 =	vld [tilespmem:$0x0]  }
0x45: {  	_ =	swait.ge [sflag:s20], $0x2800  }
0x46: {  	[sflag:s20] =	ssyncset.done $0x0  }
0x47: {  	[sflag:s20] =	ssyncadd.s32 $0xFFFFD800  }
0x48: {  	s14 =	simm.s32 $0x0;
	s15 =	simm.s32 $0x0;
	[bflag:$0x0] =	sbarrier.arrive $0xFFFF  }
.LBB2_4:
0x49: {  	s16 =	sshll.u32 s15, $0xC  }
0x4a: {  	s17 =	sadd.s32 s8, s16  }
0x4b: {  	s17 =	sshrl.u32 s17, $0x3  }
0x4c: {  	s17 =	sadd.s32 s1, s17  }
0x4d: {  	[tilespmem:s14], [sflag:$0x5] =	stream.linear.gather [hbm4b:s17+s14], $0x1000, $0x38;
	v63 =	vld [tilespmem:$0x0]  }
0x4e: {  	s16 =	sor.u32 s7, s16;
	_ =	swait.ge [sflag:s20], $0x1000  }
0x4f: {  	s16 =	sshrl.u32 s16, $0x3;
	[sflag:s20] =	ssyncset.done $0x0  }
0x50: {  	s16 =	sadd.s32 s6, s16;
	[sflag:s20] =	ssyncadd.s32 $0xFFFFF000  }
0x51: {  	[tilespmem:s21], [sflag:$0x5] =	stream.linear.gather [hbm4b:s16+s14], $0x1000, $0x38;
	v63 =	vld [tilespmem:$0x0]  }
0x52: {  	_ =	swait.ge [sflag:s20], $0x1000  }
0x53: {  	[sflag:s20] =	ssyncset.done $0x0  }
0x54: {  	[sflag:s20] =	ssyncadd.s32 $0xFFFFF000  }
0x55: {  	[tilespmem:s19], [sflag:$0x1] =	stream.indirect.gather [hbm4b:s5+s22], $0x80, s14, s22, $0xb8;
	v63 =	vld [tilespmem:$0x0]  }
0x56: {  	_ = 	snop  }
0x57: {  	[tilespmem:s24], [sflag:$0x2] =	stream.indirect.gather [hbm4b:s5+s22], $0x80, s23, s22, $0xb8;
	v63 =	vld [tilespmem:$0x0]  }
0x58: {  	_ = 	snop  }
0x59: {  	[tilespmem:s26], [sflag:$0x3] =	stream.indirect.gather [hbm4b:s5+s22], $0x80, s25, s22, $0xb8;
	v63 =	vld [tilespmem:$0x0]  }
0x5a: {  	_ =	swait.ge [sflag:s28], $0x2800  }
0x5b: {  	[sflag:s28] =	ssyncset.done $0x0  }
0x5c: {  	s17 =	simm.s32 $0x180;
	[sflag:s28] =	ssyncadd.s32 $0xFFFFD800  }
0x5d: {  	[tilespmem:s29], [sflag:$0x4] =	stream.indirect.gather [hbm4b:s5+s22], $0x80, s17, s22, $0xb8;
	v63 =	vld [tilespmem:$0x0]  }
0x5e: {  	s18 =	simm.s32 $0x1000  }
0x5f: {  	[spmem:s2] =	stream.indirect.scatter.add.f32 [tilespmem:s19], [sflag:$0x5], $0x80, s18, s22, $0xb8;
	v63 =	vld [tilespmem:$0x0]  }
0x60: {  	_ =	swait.ge [sflag:s20], $0x2800  }
0x61: {  	[sflag:s20] =	ssyncset.done $0x0  }
0x62: {  	[sflag:s20] =	ssyncadd.s32 $0xFFFFD800  }
0x63: {  	_ =	swait.ge [sflag:s30], $0x2800  }
0x64: {  	[sflag:s30] =	ssyncset.done $0x0  }
0x65: {  	s17 =	simm.s32 $0x200;
	[sflag:s30] =	ssyncadd.s32 $0xFFFFD800  }
0x66: {  	[tilespmem:s19], [sflag:$0x1] =	stream.indirect.gather [hbm4b:s5+s22], $0x80, s17, s22, $0xb8;
	v63 =	vld [tilespmem:$0x0]  }
0x67: {  	s18 =	simm.s32 $0x1080  }
0x68: {  	[spmem:s2] =	stream.indirect.scatter.add.f32 [tilespmem:s24], [sflag:$0x5], $0x80, s18, s22, $0xb8;
	v63 =	vld [tilespmem:$0x0]  }
0x69: {  	_ =	swait.ge [sflag:s20], $0x2800  }
0x6a: {  	[sflag:s20] =	ssyncset.done $0x0  }
0x6b: {  	[sflag:s20] =	ssyncadd.s32 $0xFFFFD800  }
0x6c: {  	_ =	swait.ge [sflag:s31], $0x2800  }
0x6d: {  	[sflag:s31] =	ssyncset.done $0x0  }
0x6e: {  	s17 =	simm.s32 $0x280;
	[sflag:s31] =	ssyncadd.s32 $0xFFFFD800  }
0x6f: {  	[tilespmem:s24], [sflag:$0x2] =	stream.indirect.gather [hbm4b:s5+s22], $0x80, s17, s22, $0xb8;
	v63 =	vld [tilespmem:$0x0]  }
0x70: {  	s18 =	simm.s32 $0x1100  }
0x71: {  	[spmem:s2] =	stream.indirect.scatter.add.f32 [tilespmem:s26], [sflag:$0x5], $0x80, s18, s22, $0xb8;
	v63 =	vld [tilespmem:$0x0]  }
0x72: {  	_ =	swait.ge [sflag:s20], $0x2800  }
0x73: {  	[sflag:s20] =	ssyncset.done $0x0  }
0x74: {  	[sflag:s20] =	ssyncadd.s32 $0xFFFFD800  }
0x75: {  	_ =	swait.ge [sflag:s0], $0x2800  }
0x76: {  	[sflag:s0] =	ssyncset.done $0x0  }
0x77: {  	s17 =	simm.s32 $0x300;
	[sflag:s0] =	ssyncadd.s32 $0xFFFFD800  }
0x78: {  	[tilespmem:s26], [sflag:$0x3] =	stream.indirect.gather [hbm4b:s5+s22], $0x80, s17, s22, $0xb8;
	v63 =	vld [tilespmem:$0x0]  }
0x79: {  	s18 =	simm.s32 $0x1180  }
0x7a: {  	[spmem:s2] =	stream.indirect.scatter.add.f32 [tilespmem:s29], [sflag:$0x5], $0x80, s18, s22, $0xb8;
	v63 =	vld [tilespmem:$0x0]  }
0x7b: {  	_ =	swait.ge [sflag:s20], $0x2800  }
0x7c: {  	s16 =	simm.s32 $0x800;
	[sflag:s20] =	ssyncset.done $0x0  }
.LBB2_5:
0x7d: {  	p0 =	sne.s32 s16, $0x3000  }
0x7e: {  	[sflag:s20] =	ssyncadd.s32 $0xFFFFD800;
	s17 =	smov.u32 s16;
	s16 =	sadd.s32 $0x800, s16  }
0x7f: {  	_ = 	snop  }
0x80: {  	_ =	swait.ge [sflag:s28], $0x2800  }
0x81: {  	s17 =	sshra.s32 s17, $0x2;
	[sflag:s28] =	ssyncset.done $0x0  }
0x82: {  	s18 =	sadd.s32 $0x180, s17;
	[sflag:s28] =	ssyncadd.s32 $0xFFFFD800  }
0x83: {  	[tilespmem:s29], [sflag:$0x4] =	stream.indirect.gather [hbm4b:s5+s22], $0x80, s18, s22, $0xb8;
	v63 =	vld [tilespmem:$0x0]  }
0x84: {  	s18 =	sadd.s32 $0x1000, s17  }
0x85: {  	[spmem:s2] =	stream.indirect.scatter.add.f32 [tilespmem:s19], [sflag:$0x5], $0x80, s18, s22, $0xb8;
	v63 =	vld [tilespmem:$0x0]  }
0x86: {  	_ =	swait.ge [sflag:s20], $0x2800  }
0x87: {  	[sflag:s20] =	ssyncset.done $0x0  }
0x88: {  	[sflag:s20] =	ssyncadd.s32 $0xFFFFD800  }
0x89: {  	_ =	swait.ge [sflag:s30], $0x2800  }
0x8a: {  	[sflag:s30] =	ssyncset.done $0x0  }
0x8b: {  	s18 =	sadd.s32 $0x200, s17;
	[sflag:s30] =	ssyncadd.s32 $0xFFFFD800  }
0x8c: {  	[tilespmem:s19], [sflag:$0x1] =	stream.indirect.gather [hbm4b:s5+s22], $0x80, s18, s22, $0xb8;
	v63 =	vld [tilespmem:$0x0]  }
0x8d: {  	s18 =	sadd.s32 $0x1080, s17  }
0x8e: {  	[spmem:s2] =	stream.indirect.scatter.add.f32 [tilespmem:s24], [sflag:$0x5], $0x80, s18, s22, $0xb8;
	v63 =	vld [tilespmem:$0x0]  }
0x8f: {  	_ =	swait.ge [sflag:s20], $0x2800  }
0x90: {  	[sflag:s20] =	ssyncset.done $0x0  }
0x91: {  	[sflag:s20] =	ssyncadd.s32 $0xFFFFD800  }
0x92: {  	_ =	swait.ge [sflag:s31], $0x2800  }
0x93: {  	[sflag:s31] =	ssyncset.done $0x0  }
0x94: {  	s18 =	sadd.s32 $0x280, s17;
	[sflag:s31] =	ssyncadd.s32 $0xFFFFD800  }
0x95: {  	[tilespmem:s24], [sflag:$0x2] =	stream.indirect.gather [hbm4b:s5+s22], $0x80, s18, s22, $0xb8;
	v63 =	vld [tilespmem:$0x0]  }
0x96: {  	s18 =	sadd.s32 $0x1100, s17  }
0x97: {  	[spmem:s2] =	stream.indirect.scatter.add.f32 [tilespmem:s26], [sflag:$0x5], $0x80, s18, s22, $0xb8;
	v63 =	vld [tilespmem:$0x0]  }
0x98: {  	_ =	swait.ge [sflag:s20], $0x2800  }
0x99: {  	[sflag:s20] =	ssyncset.done $0x0  }
0x9a: {  	[sflag:s20] =	ssyncadd.s32 $0xFFFFD800  }
0x9b: {  	_ =	swait.ge [sflag:s0], $0x2800  }
0x9c: {  	[sflag:s0] =	ssyncset.done $0x0  }
0x9d: {  	s18 =	sadd.s32 $0x300, s17;
	[sflag:s0] =	ssyncadd.s32 $0xFFFFD800  }
0x9e: {  	[tilespmem:s26], [sflag:$0x3] =	stream.indirect.gather [hbm4b:s5+s22], $0x80, s18, s22, $0xb8;
	v63 =	vld [tilespmem:$0x0]  }
.Ltmp1:
0x9f: {  	_ = 	snop;
	(pc) =	sbr.rel @p0 .LBB2_5-.Ltmp1, $4  }
0xa0: {  	s17 =	sadd.s32 $0x1180, s17  }
0xa1: {  	[spmem:s2] =	stream.indirect.scatter.add.f32 [tilespmem:s29], [sflag:$0x5], $0x80, s17, s22, $0xb8;
	v63 =	vld [tilespmem:$0x0]  }
0xa2: {  	_ =	swait.ge [sflag:s20], $0x2800  }
0xa3: {  	[sflag:s20] =	ssyncset.done $0x0  }
0xa4: {  	[sflag:s20] =	ssyncadd.s32 $0xFFFFD800  }
0xa5: {  	_ =	swait.ge [sflag:s28], $0x2800  }
0xa6: {  	[sflag:s28] =	ssyncset.done $0x0  }
0xa7: {  	[sflag:s28] =	ssyncadd.s32 $0xFFFFD800  }
0xa8: {  	[tilespmem:s29], [sflag:$0x4] =	stream.indirect.gather [hbm4b:s5+s22], $0x80, s3, s22, $0xb8;
	v63 =	vld [tilespmem:$0x0]  }
0xa9: {  	_ = 	snop  }
0xaa: {  	[spmem:s2] =	stream.indirect.scatter.add.f32 [tilespmem:s19], [sflag:$0x5], $0x80, s10, s22, $0xb8;
	v63 =	vld [tilespmem:$0x0]  }
0xab: {  	_ =	swait.ge [sflag:s20], $0x2800  }
0xac: {  	[sflag:s20] =	ssyncset.done $0x0  }
0xad: {  	[sflag:s20] =	ssyncadd.s32 $0xFFFFD800  }
0xae: {  	_ =	swait.ge [sflag:s30], $0x2800  }
0xaf: {  	[sflag:s30] =	ssyncset.done $0x0  }
0xb0: {  	[sflag:s30] =	ssyncadd.s32 $0xFFFFD800  }
0xb1: {  	[spmem:s2] =	stream.indirect.scatter.add.f32 [tilespmem:s24], [sflag:$0x5], $0x80, s11, s22, $0xb8;
	v63 =	vld [tilespmem:$0x0]  }
0xb2: {  	_ =	swait.ge [sflag:s20], $0x2800  }
0xb3: {  	[sflag:s20] =	ssyncset.done $0x0  }
0xb4: {  	[sflag:s20] =	ssyncadd.s32 $0xFFFFD800  }
0xb5: {  	_ =	swait.ge [sflag:s31], $0x2800  }
0xb6: {  	[sflag:s31] =	ssyncset.done $0x0  }
0xb7: {  	[sflag:s31] =	ssyncadd.s32 $0xFFFFD800  }
0xb8: {  	[spmem:s2] =	stream.indirect.scatter.add.f32 [tilespmem:s26], [sflag:$0x5], $0x80, s12, s22, $0xb8;
	v63 =	vld [tilespmem:$0x0]  }
0xb9: {  	_ =	swait.ge [sflag:s20], $0x2800  }
0xba: {  	[sflag:s20] =	ssyncset.done $0x0  }
0xbb: {  	[sflag:s20] =	ssyncadd.s32 $0xFFFFD800  }
0xbc: {  	s15 =	sadd.s32 $0x1, s15;
	_ =	swait.ge [sflag:s0], $0x2800  }
0xbd: {  	p0 =	sne.s32 s15, $0x8;
	[sflag:s0] =	ssyncset.done $0x0  }
.Ltmp2:
0xbe: {  	[sflag:s0] =	ssyncadd.s32 $0xFFFFD800;
	(pc) =	sbr.rel @p0 .LBB2_4-.Ltmp2, $4  }
0xbf: {  	[spmem:s2] =	stream.indirect.scatter.add.f32 [tilespmem:s29], [sflag:$0x5], $0x80, s13, s22, $0xb8;
	v63 =	vld [tilespmem:$0x0]  }
0xc0: {  	_ =	swait.ge [sflag:s20], $0x2800  }
0xc1: {  	[sflag:s20] =	ssyncset.done $0x0  }
0xc2: {  	[sflag:s20] =	ssyncadd.s32 $0xFFFFD800  }
0xc3: {  	s14 =	stileid.u32  }
0xc4: {  	[bflag:$0x0] =	sbarrier.arrive $0xFFFF;
	s14 =	sshll.u32 s14, $0x6  }
0xc5: {  	s15 =	sshrl.u32 s9, $0x3;
	s16 =	rddreg [dreg:$0x4];
	s14 =	sor.u32 $0x1C05, s14  }
0xc6: {  	[hbm:s16], [sflag:s14] =	dma.local [spmem:s15], $0x2800  }
0xc7: {  	_ =	swait.ge [sflag:s20], $0x2800  }
0xc8: {  	s4 =	sadd.s32 $0x1, s4;
	s18 =	rddreg [dreg:$0x5]  }
0xc9: {  	p0 =	sne.s32 s4, s18  }
.Ltmp3:
0xca: {  	_ = 	snop;
	(pc) =	sbr.rel @p0 .LBB2_1-.Ltmp3, $3  }
0xcb: {  	_ =	sdelay $0x1  }
0xcc: {  	[sflag:s20] =	ssyncset.done $0x0  }
0xcd: {  	[sflag:s20] =	ssyncadd.s32 $0xFFFFD800  }
0xce: {  	_ =	sfence.sel $0x180000  }
0xcf: {  	[bflag:$0x0] =	sbarrier.arrive $0xFFFF  }
0xd0: {  	_ =	strace $0x9000004A  }
0xd1: {  	s0 =	stileid.u32;
	[bflag:$0x2] =	sbarrier.arrive $0xFFFF  }
0xd2: {  	p0 =	sne.s32 s0, $0x0;
	s0 =	rddreg [dreg:$0x3]  }
0xd3: {  	s0 =	sadd.s32 @!p0 $0x100000, s0  }
0xd4: {  	[sflag:s0] =	ssyncadd.tile.s32 @!p0 $0x1;
	_ =	shalt  }
.Lfunc_end2:
_tile_overlayer_lowered:
.L_overlay_start_2:
0xd5: {  	(tag) =	ssettag $0x2  }
0xd6: {  	s0 =	rddreg [dreg:$0x0];
	s2 =	stileid.u32  }
0xd7: {  	s1 =	rddreg [dreg:$0x1];
	p0 =	sne.s32 s2, $0x0  }
0xd8: {  	s3 =	rddreg [dreg:$0x2];
	[bflag:$0x3] =	sbarrier.arrive $0xFFFF;
	s2 =	simm.s32 @!p0 $0x1C05  }
0xd9: {  	[timem:s3], [sflag:s2] =	dma.local @!p0 [hbm:s0], s1  }
0xda: {  	s0 =	simm.s32 @!p0 $0x5  }
0xdb: {  	_ =	swait.ge @!p0 [sflag:s0], s1  }
0xdc: {  	s1 =	ssub.s32 @!p0 $0x0, s1;
	[sflag:s0] =	ssyncset.done @!p0 $0x0  }
0xdd: {  	[sflag:s0] =	ssyncadd.s32 @!p0 s1  }
0xde: {  	[bflag:$0x3] =	sbarrier.arrive $0xFFFF  }
0xdf: {  	_ =	shalt  }

</sc_bundles>
